<compile_context>
chip_gen: v7x
topology: tpu7x:2x2x1
jax: 0.10.2.dev20260603
libtpu: 0.0.44.dev20260713+nightly
codegen_flags: <defaults>
</compile_context>

<pallas_src>
import functools

import jax
import jax.numpy as jnp
from jax import lax
from jax.experimental import pallas as pl
from jax.experimental.pallas import tpu as pltpu
from jax.experimental.pallas import tpu_sc as plsc

D = 128
S = 10
NC = 2
NS = 16
NW = NC * NS
BPAD = 50176
BPW = BPAD // NW
C = 56
NCHUNK = BPW // C
NBUF = 2
NG = NCHUNK // NBUF
MM_BLK = 1024


@functools.cache
def _make_sc_gather_sum():
    mesh = plsc.VectorSubcoreMesh(core_axis_name="c", subcore_axis_name="s")

    @functools.partial(
        pl.kernel,
        out_type=(
            jax.ShapeDtypeStruct((BPAD, D), jnp.float32),
            jax.ShapeDtypeStruct((BPAD, D), jnp.float32),
        ),
        mesh=mesh,
        scratch_types=[
            pltpu.VMEM((BPW,), jnp.int32),
            pltpu.VMEM((S * BPW,), jnp.int32),
            pltpu.VMEM((NBUF, C, D), jnp.float32),
            pltpu.VMEM((NBUF, C, D), jnp.float32),
        ] + [pltpu.SemaphoreType.DMA] * (2 * NBUF),
    )
    def _sc_gather_sum(x_hbm, nodes_hbm, neigh_hbm, self_out, sum_out,
                       idx_s, idx_n, rows_s, acc_v, *sems):
        _sc_body(x_hbm, nodes_hbm, neigh_hbm, self_out, sum_out,
                 idx_s, idx_n, rows_s, acc_v,
                 sems[:NBUF], sems[NBUF:])

    return _sc_gather_sum


def _sc_body(x_hbm, nodes_hbm, neigh_hbm, self_out, sum_out,
             idx_s, idx_n, rows_s, acc_v, gsems, ssems):
    wid = lax.axis_index("s") * NC + lax.axis_index("c")
    base = wid * BPW

    pltpu.sync_copy(nodes_hbm.at[pl.ds(base, BPW)], idx_s)
    for j in range(S):
        pltpu.sync_copy(neigh_hbm.at[pl.ds(j * BPAD + base, BPW)],
                        idx_n.at[pl.ds(j * BPW, BPW)])

    zeros16 = jnp.zeros((16,), jnp.float32)

    def zero_acc(b):
        def zbody(r, carry):
            for k in range(D // 16):
                acc_v[b, r, pl.ds(k * 16, 16)] = zeros16
            return carry
        lax.fori_loop(0, C, zbody, 0, unroll=False)

    def fire(ci, b):
        c0 = ci * C
        pltpu.async_copy(x_hbm.at[idx_s.at[pl.ds(c0, C)]], rows_s.at[b],
                         gsems[b])
        for j in range(S):
            pltpu.async_copy(x_hbm.at[idx_n.at[pl.ds(j * BPW + c0, C)]],
                             acc_v.at[b], gsems[b], add=True)

    def drain_gathers(ci, b):
        c0 = ci * C
        pltpu.make_async_copy(x_hbm.at[idx_s.at[pl.ds(c0, C)]], rows_s.at[b],
                              gsems[b]).wait()
        for j in range(S):
            pltpu.make_async_copy(x_hbm.at[idx_n.at[pl.ds(j * BPW + c0, C)]],
                                  acc_v.at[b], gsems[b]).wait()

    def store(ci, b):
        row0 = base + ci * C
        pltpu.async_copy(rows_s.at[b], self_out.at[pl.ds(row0, C)], ssems[b])
        pltpu.async_copy(acc_v.at[b], sum_out.at[pl.ds(row0, C)], ssems[b])

    def drain_store(b):
        pltpu.make_async_copy(rows_s.at[b], self_out.at[pl.ds(base, C)],
                              ssems[b]).wait()
        pltpu.make_async_copy(acc_v.at[b], sum_out.at[pl.ds(base, C)],
                              ssems[b]).wait()

    for b in range(NBUF):
        zero_acc(b)
        fire(b, b)

    def ring_body(g, carry):
        for b in range(NBUF):
            ci = NBUF * g + b
            drain_gathers(ci, b)
            store(ci, b)

            @pl.when(g < NG - 1)
            def _():
                drain_store(b)
                zero_acc(b)
                fire(ci + NBUF, b)
        return carry

    lax.fori_loop(0, NG, ring_body, 0, unroll=False)
    for b in range(NBUF):
        drain_store(b)


def _mm_body(self_ref, sum_ref, w1_ref, w2_ref, o_ref):
    a = lax.dot_general(w1_ref[...], self_ref[...],
                        (((1,), (1,)), ((), ())),
                        preferred_element_type=jnp.float32)
    b = lax.dot_general(w2_ref[...], sum_ref[...],
                        (((1,), (1,)), ((), ())),
                        preferred_element_type=jnp.float32)
    o_ref[...] = jnp.maximum(a + b, 0.0)


def _make_tc_matmul(B):
    return pl.pallas_call(
        _mm_body,
        grid=(BPAD // MM_BLK,),
        in_specs=[
            pl.BlockSpec((MM_BLK, D), lambda i: (i, 0)),
            pl.BlockSpec((MM_BLK, D), lambda i: (i, 0)),
            pl.BlockSpec((D, D), lambda i: (0, 0)),
            pl.BlockSpec((D, D), lambda i: (0, 0)),
        ],
        out_specs=pl.BlockSpec((D, MM_BLK), lambda i: (0, i)),
        out_shape=jax.ShapeDtypeStruct((D, B), jnp.float32),
    )


def kernel(x, W, nodes, neigh_idx):
    B = nodes.shape[0]
    pad = BPAD - B
    nodes_p = jnp.concatenate([nodes, jnp.zeros((pad,), jnp.int32)])
    neigh_f = jnp.concatenate(
        [neigh_idx, jnp.zeros((pad, S), jnp.int32)]).T.reshape(-1)
    self_feats, neigh_sum = _make_sc_gather_sum()(x, nodes_p, neigh_f)
    w1 = W[:, :D]
    w2 = W[:, D:] * jnp.float32(1.0 / S)
    return _make_tc_matmul(B)(self_feats, neigh_sum, w1, w2)

# --- scband reference (transcript-rebuilt; emitter-appended) ---
"""Pipeline reference for scband-encoder-86517821214332 (READ-ONLY COPY).

The authoritative reference and input builder live on the scoring server;
editing this copy changes nothing except your own understanding.
"""

import jax, jax.numpy as jnp
import numpy as np

N_NODES = 50000
D_FEAT = 128
EMBED_DIM = 128
BATCH = 50000
NUM_SAMPLE = 10


def setup_inputs(seed: int = 0) -> dict:
    key = jax.random.key(seed)
    k1, k2, k3, k4 = jax.random.split(key, 4)
    # node feature table (the `features` embedding passed to Encoder.__init__)
    x = jax.random.normal(k1, (N_NODES, D_FEAT), dtype=jnp.float32)
    # batch of node ids passed to forward()
    nodes = jax.random.randint(k2, (BATCH,), 0, N_NODES, dtype=jnp.int32)
    # pre-sampled neighbor ids: materializes adj_lists + num_sample sampling
    neigh_idx = jax.random.randint(k3, (BATCH, NUM_SAMPLE), 0, N_NODES, dtype=jnp.int32)
    # self.weight: [embed_dim, 2*feat_dim] (gcn=False), xavier_uniform init
    limit = float(np.sqrt(6.0 / (EMBED_DIM + 2 * D_FEAT)))
    W = jax.random.uniform(k4, (EMBED_DIM, 2 * D_FEAT), dtype=jnp.float32, minval=-limit, maxval=limit)
    return {"x": x, "W": W, "nodes": nodes, "neigh_idx": neigh_idx}


def reference(x, W, nodes, neigh_idx):
    # aggregator: mean of sampled neighbor features (MeanAggregator mask.mm(embed))
    B, S = neigh_idx.shape
    neigh_feats = jnp.take(x, neigh_idx.reshape(-1), axis=0).reshape(B, S, -1)
    neigh_feats = jnp.mean(neigh_feats, axis=1)
    # self features: self.features(torch.LongTensor(nodes))
    self_feats = jnp.take(x, nodes, axis=0)
    combined = jnp.concatenate([self_feats, neigh_feats], axis=1)  # [B, 2*d]
    # F.relu(self.weight.mm(combined.t())) -> [embed_dim, B]
    return jax.nn.relu(W @ combined.T)

if __name__ == "__main__":
    import jax
    _d = setup_inputs()
    print(jax.jit(kernel)(*tuple(_d.values())))

</pallas_src>

<mosaic_0001>
#map = affine_map<(d0, d1) -> (0, 0)>
#map1 = affine_map<(d0, d1) -> (0)>
module attributes {stable_mosaic.version = 14 : i64} {
  func.func @_sc_gather_sum(%arg0: i32, %arg1: i32, %arg2: memref<50000x128xf32, #tpu.memory_space<hbm>>, %arg3: memref<50176xi32, #tpu.memory_space<hbm>>, %arg4: memref<501760xi32, #tpu.memory_space<hbm>>, %arg5: memref<50176x128xf32, #tpu.memory_space<hbm>>, %arg6: memref<50176x128xf32, #tpu.memory_space<hbm>>, %arg7: memref<1568xi32, #tpu.memory_space<vmem>>, %arg8: memref<15680xi32, #tpu.memory_space<vmem>>, %arg9: memref<2x56x128xf32, #tpu.memory_space<vmem>>, %arg10: memref<2x56x128xf32, #tpu.memory_space<vmem>>, %arg11: memref<!tpu.dma_semaphore, #tpu.memory_space<semaphore_mem>>, %arg12: memref<!tpu.dma_semaphore, #tpu.memory_space<semaphore_mem>>, %arg13: memref<!tpu.dma_semaphore, #tpu.memory_space<semaphore_mem>>, %arg14: memref<!tpu.dma_semaphore, #tpu.memory_space<semaphore_mem>>) attributes {dimension_semantics = [#tpu.dimension_semantics<core_parallel>, #tpu.dimension_semantics<subcore_parallel>], iteration_bounds = array<i64: 2, 16>, scalar_prefetch = 0 : i64, scratch_operands = 8 : i64, tpu.core_type = #tpu.core_type<sc_vector_subcore>, window_params = [{transform_indices = #map}, {transform_indices = #map1}, {transform_indices = #map1}, {transform_indices = #map}, {transform_indices = #map}]} {
    %mul3A = arith.constant 2 : i32
    %mul3A_0 = arith.muli %arg1, %mul3A : i32
    %add3A = arith.addi %mul3A_0, %arg0 : i32
    %mul3A_1 = arith.constant 1568 : i32
    %mul3A_2 = arith.muli %add3A, %mul3A_1 : i32
    "tpu.region"() ({
      %run_scoped3A = tpu.sem_alloc : memref<!tpu.dma_semaphore, #tpu.memory_space<semaphore_mem>>
      %dma_start3A_311 = tpu.memref_slice %arg3[%mul3A_2] : memref<50176xi32, #tpu.memory_space<hbm>> -> memref<1568xi32, #tpu.memory_space<hbm>>
      %dma_start3A_312 = tpu.memref_slice %arg3[%mul3A_2] : memref<50176xi32, #tpu.memory_space<hbm>> -> memref<1568xi32, #tpu.memory_space<hbm>>
      tpu.enqueue_dma source(%dma_start3A_312 : memref<1568xi32, #tpu.memory_space<hbm>>) target(%arg7 : memref<1568xi32, #tpu.memory_space<vmem>>) target_semaphore(%run_scoped3A : memref<!tpu.dma_semaphore, #tpu.memory_space<semaphore_mem>>)
      %dma_wait3A_313 = tpu.memref_slice %arg3[%mul3A_2] : memref<50176xi32, #tpu.memory_space<hbm>> -> memref<1568xi32, #tpu.memory_space<hbm>>
      %dma_wait3A_314 = tpu.memref_slice %arg3[%mul3A_2] : memref<50176xi32, #tpu.memory_space<hbm>> -> memref<1568xi32, #tpu.memory_space<hbm>>
      tpu.wait_dma2 semaphore(%run_scoped3A : memref<!tpu.dma_semaphore, #tpu.memory_space<semaphore_mem>>) src(%dma_wait3A_314 : memref<1568xi32, #tpu.memory_space<hbm>>) dst(%arg7 : memref<1568xi32, #tpu.memory_space<vmem>>)
      tpu.yield
    }) : () -> ()
    %add3A_3 = arith.constant 0 : i32
    %add3A_4 = arith.addi %add3A_3, %mul3A_2 : i32
    "tpu.region"() ({
      %run_scoped3A = tpu.sem_alloc : memref<!tpu.dma_semaphore, #tpu.memory_space<semaphore_mem>>
      %dma_start3A_311 = arith.constant 0 : i32
      %dma_start3A_312 = tpu.memref_slice %arg8[%dma_start3A_311] : memref<15680xi32, #tpu.memory_space<vmem>> -> memref<1568xi32, #tpu.memory_space<vmem>>
      %dma_start3A_313 = tpu.memref_slice %arg4[%add3A_4] : memref<501760xi32, #tpu.memory_space<hbm>> -> memref<1568xi32, #tpu.memory_space<hbm>>
      %dma_start3A_314 = arith.constant 0 : i32
      %dma_start3A_315 = tpu.memref_slice %arg8[%dma_start3A_314] : memref<15680xi32, #tpu.memory_space<vmem>> -> memref<1568xi32, #tpu.memory_space<vmem>>
      %dma_start3A_316 = tpu.memref_slice %arg4[%add3A_4] : memref<501760xi32, #tpu.memory_space<hbm>> -> memref<1568xi32, #tpu.memory_space<hbm>>
      tpu.enqueue_dma source(%dma_start3A_316 : memref<1568xi32, #tpu.memory_space<hbm>>) target(%dma_start3A_315 : memref<1568xi32, #tpu.memory_space<vmem>>) target_semaphore(%run_scoped3A : memref<!tpu.dma_semaphore, #tpu.memory_space<semaphore_mem>>)
      %dma_wait3A_317 = arith.constant 0 : i32
      %dma_wait3A_318 = tpu.memref_slice %arg8[%dma_wait3A_317] : memref<15680xi32, #tpu.memory_space<vmem>> -> memref<1568xi32, #tpu.memory_space<vmem>>
      %dma_wait3A_319 = tpu.memref_slice %arg4[%add3A_4] : memref<501760xi32, #tpu.memory_space<hbm>> -> memref<1568xi32, #tpu.memory_space<hbm>>
      %dma_wait3A_320 = arith.constant 0 : i32
      %dma_wait3A_321 = tpu.memref_slice %arg8[%dma_wait3A_320] : memref<15680xi32, #tpu.memory_space<vmem>> -> memref<1568xi32, #tpu.memory_space<vmem>>
      %dma_wait3A_322 = tpu.memref_slice %arg4[%add3A_4] : memref<501760xi32, #tpu.memory_space<hbm>> -> memref<1568xi32, #tpu.memory_space<hbm>>
      tpu.wait_dma2 semaphore(%run_scoped3A : memref<!tpu.dma_semaphore, #tpu.memory_space<semaphore_mem>>) src(%dma_wait3A_322 : memref<1568xi32, #tpu.memory_space<hbm>>) dst(%dma_wait3A_321 : memref<1568xi32, #tpu.memory_space<vmem>>)
      tpu.yield
    }) : () -> ()
    %add3A_5 = arith.constant 50176 : i32
    %add3A_6 = arith.addi %add3A_5, %mul3A_2 : i32
    "tpu.region"() ({
      %run_scoped3A = tpu.sem_alloc : memref<!tpu.dma_semaphore, #tpu.memory_space<semaphore_mem>>
      %dma_start3A_311 = arith.constant 1568 : i32
      %dma_start3A_312 = tpu.memref_slice %arg8[%dma_start3A_311] : memref<15680xi32, #tpu.memory_space<vmem>> -> memref<1568xi32, #tpu.memory_space<vmem>>
      %dma_start3A_313 = tpu.memref_slice %arg4[%add3A_6] : memref<501760xi32, #tpu.memory_space<hbm>> -> memref<1568xi32, #tpu.memory_space<hbm>>
      %dma_start3A_314 = arith.constant 1568 : i32
      %dma_start3A_315 = tpu.memref_slice %arg8[%dma_start3A_314] : memref<15680xi32, #tpu.memory_space<vmem>> -> memref<1568xi32, #tpu.memory_space<vmem>>
      %dma_start3A_316 = tpu.memref_slice %arg4[%add3A_6] : memref<501760xi32, #tpu.memory_space<hbm>> -> memref<1568xi32, #tpu.memory_space<hbm>>
      tpu.enqueue_dma source(%dma_start3A_316 : memref<1568xi32, #tpu.memory_space<hbm>>) target(%dma_start3A_315 : memref<1568xi32, #tpu.memory_space<vmem>>) target_semaphore(%run_scoped3A : memref<!tpu.dma_semaphore, #tpu.memory_space<semaphore_mem>>)
      %dma_wait3A_317 = arith.constant 1568 : i32
      %dma_wait3A_318 = tpu.memref_slice %arg8[%dma_wait3A_317] : memref<15680xi32, #tpu.memory_space<vmem>> -> memref<1568xi32, #tpu.memory_space<vmem>>
      %dma_wait3A_319 = tpu.memref_slice %arg4[%add3A_6] : memref<501760xi32, #tpu.memory_space<hbm>> -> memref<1568xi32, #tpu.memory_space<hbm>>
      %dma_wait3A_320 = arith.constant 1568 : i32
      %dma_wait3A_321 = tpu.memref_slice %arg8[%dma_wait3A_320] : memref<15680xi32, #tpu.memory_space<vmem>> -> memref<1568xi32, #tpu.memory_space<vmem>>
      %dma_wait3A_322 = tpu.memref_slice %arg4[%add3A_6] : memref<501760xi32, #tpu.memory_space<hbm>> -> memref<1568xi32, #tpu.memory_space<hbm>>
      tpu.wait_dma2 semaphore(%run_scoped3A : memref<!tpu.dma_semaphore, #tpu.memory_space<semaphore_mem>>) src(%dma_wait3A_322 : memref<1568xi32, #tpu.memory_space<hbm>>) dst(%dma_wait3A_321 : memref<1568xi32, #tpu.memory_space<vmem>>)
      tpu.yield
    }) : () -> ()
    %add3A_7 = arith.constant 100352 : i32
    %add3A_8 = arith.addi %add3A_7, %mul3A_2 : i32
    "tpu.region"() ({
      %run_scoped3A = tpu.sem_alloc : memref<!tpu.dma_semaphore, #tpu.memory_space<semaphore_mem>>
      %dma_start3A_311 = arith.constant 3136 : i32
      %dma_start3A_312 = tpu.memref_slice %arg8[%dma_start3A_311] : memref<15680xi32, #tpu.memory_space<vmem>> -> memref<1568xi32, #tpu.memory_space<vmem>>
      %dma_start3A_313 = tpu.memref_slice %arg4[%add3A_8] : memref<501760xi32, #tpu.memory_space<hbm>> -> memref<1568xi32, #tpu.memory_space<hbm>>
      %dma_start3A_314 = arith.constant 3136 : i32
      %dma_start3A_315 = tpu.memref_slice %arg8[%dma_start3A_314] : memref<15680xi32, #tpu.memory_space<vmem>> -> memref<1568xi32, #tpu.memory_space<vmem>>
      %dma_start3A_316 = tpu.memref_slice %arg4[%add3A_8] : memref<501760xi32, #tpu.memory_space<hbm>> -> memref<1568xi32, #tpu.memory_space<hbm>>
      tpu.enqueue_dma source(%dma_start3A_316 : memref<1568xi32, #tpu.memory_space<hbm>>) target(%dma_start3A_315 : memref<1568xi32, #tpu.memory_space<vmem>>) target_semaphore(%run_scoped3A : memref<!tpu.dma_semaphore, #tpu.memory_space<semaphore_mem>>)
      %dma_wait3A_317 = arith.constant 3136 : i32
      %dma_wait3A_318 = tpu.memref_slice %arg8[%dma_wait3A_317] : memref<15680xi32, #tpu.memory_space<vmem>> -> memref<1568xi32, #tpu.memory_space<vmem>>
      %dma_wait3A_319 = tpu.memref_slice %arg4[%add3A_8] : memref<501760xi32, #tpu.memory_space<hbm>> -> memref<1568xi32, #tpu.memory_space<hbm>>
      %dma_wait3A_320 = arith.constant 3136 : i32
      %dma_wait3A_321 = tpu.memref_slice %arg8[%dma_wait3A_320] : memref<15680xi32, #tpu.memory_space<vmem>> -> memref<1568xi32, #tpu.memory_space<vmem>>
      %dma_wait3A_322 = tpu.memref_slice %arg4[%add3A_8] : memref<501760xi32, #tpu.memory_space<hbm>> -> memref<1568xi32, #tpu.memory_space<hbm>>
      tpu.wait_dma2 semaphore(%run_scoped3A : memref<!tpu.dma_semaphore, #tpu.memory_space<semaphore_mem>>) src(%dma_wait3A_322 : memref<1568xi32, #tpu.memory_space<hbm>>) dst(%dma_wait3A_321 : memref<1568xi32, #tpu.memory_space<vmem>>)
      tpu.yield
    }) : () -> ()
    %add3A_9 = arith.constant 150528 : i32
    %add3A_10 = arith.addi %add3A_9, %mul3A_2 : i32
    "tpu.region"() ({
      %run_scoped3A = tpu.sem_alloc : memref<!tpu.dma_semaphore, #tpu.memory_space<semaphore_mem>>
      %dma_start3A_311 = arith.constant 4704 : i32
      %dma_start3A_312 = tpu.memref_slice %arg8[%dma_start3A_311] : memref<15680xi32, #tpu.memory_space<vmem>> -> memref<1568xi32, #tpu.memory_space<vmem>>
      %dma_start3A_313 = tpu.memref_slice %arg4[%add3A_10] : memref<501760xi32, #tpu.memory_space<hbm>> -> memref<1568xi32, #tpu.memory_space<hbm>>
      %dma_start3A_314 = arith.constant 4704 : i32
      %dma_start3A_315 = tpu.memref_slice %arg8[%dma_start3A_314] : memref<15680xi32, #tpu.memory_space<vmem>> -> memref<1568xi32, #tpu.memory_space<vmem>>
      %dma_start3A_316 = tpu.memref_slice %arg4[%add3A_10] : memref<501760xi32, #tpu.memory_space<hbm>> -> memref<1568xi32, #tpu.memory_space<hbm>>
      tpu.enqueue_dma source(%dma_start3A_316 : memref<1568xi32, #tpu.memory_space<hbm>>) target(%dma_start3A_315 : memref<1568xi32, #tpu.memory_space<vmem>>) target_semaphore(%run_scoped3A : memref<!tpu.dma_semaphore, #tpu.memory_space<semaphore_mem>>)
      %dma_wait3A_317 = arith.constant 4704 : i32
      %dma_wait3A_318 = tpu.memref_slice %arg8[%dma_wait3A_317] : memref<15680xi32, #tpu.memory_space<vmem>> -> memref<1568xi32, #tpu.memory_space<vmem>>
      %dma_wait3A_319 = tpu.memref_slice %arg4[%add3A_10] : memref<501760xi32, #tpu.memory_space<hbm>> -> memref<1568xi32, #tpu.memory_space<hbm>>
      %dma_wait3A_320 = arith.constant 4704 : i32
      %dma_wait3A_321 = tpu.memref_slice %arg8[%dma_wait3A_320] : memref<15680xi32, #tpu.memory_space<vmem>> -> memref<1568xi32, #tpu.memory_space<vmem>>
      %dma_wait3A_322 = tpu.memref_slice %arg4[%add3A_10] : memref<501760xi32, #tpu.memory_space<hbm>> -> memref<1568xi32, #tpu.memory_space<hbm>>
      tpu.wait_dma2 semaphore(%run_scoped3A : memref<!tpu.dma_semaphore, #tpu.memory_space<semaphore_mem>>) src(%dma_wait3A_322 : memref<1568xi32, #tpu.memory_space<hbm>>) dst(%dma_wait3A_321 : memref<1568xi32, #tpu.memory_space<vmem>>)
      tpu.yield
    }) : () -> ()
    %add3A_11 = arith.constant 200704 : i32
    %add3A_12 = arith.addi %add3A_11, %mul3A_2 : i32
    "tpu.region"() ({
      %run_scoped3A = tpu.sem_alloc : memref<!tpu.dma_semaphore, #tpu.memory_space<semaphore_mem>>
      %dma_start3A_311 = arith.constant 6272 : i32
      %dma_start3A_312 = tpu.memref_slice %arg8[%dma_start3A_311] : memref<15680xi32, #tpu.memory_space<vmem>> -> memref<1568xi32, #tpu.memory_space<vmem>>
      %dma_start3A_313 = tpu.memref_slice %arg4[%add3A_12] : memref<501760xi32, #tpu.memory_space<hbm>> -> memref<1568xi32, #tpu.memory_space<hbm>>
      %dma_start3A_314 = arith.constant 6272 : i32
      %dma_start3A_315 = tpu.memref_slice %arg8[%dma_start3A_314] : memref<15680xi32, #tpu.memory_space<vmem>> -> memref<1568xi32, #tpu.memory_space<vmem>>
      %dma_start3A_316 = tpu.memref_slice %arg4[%add3A_12] : memref<501760xi32, #tpu.memory_space<hbm>> -> memref<1568xi32, #tpu.memory_space<hbm>>
      tpu.enqueue_dma source(%dma_start3A_316 : memref<1568xi32, #tpu.memory_space<hbm>>) target(%dma_start3A_315 : memref<1568xi32, #tpu.memory_space<vmem>>) target_semaphore(%run_scoped3A : memref<!tpu.dma_semaphore, #tpu.memory_space<semaphore_mem>>)
      %dma_wait3A_317 = arith.constant 6272 : i32
      %dma_wait3A_318 = tpu.memref_slice %arg8[%dma_wait3A_317] : memref<15680xi32, #tpu.memory_space<vmem>> -> memref<1568xi32, #tpu.memory_space<vmem>>
      %dma_wait3A_319 = tpu.memref_slice %arg4[%add3A_12] : memref<501760xi32, #tpu.memory_space<hbm>> -> memref<1568xi32, #tpu.memory_space<hbm>>
      %dma_wait3A_320 = arith.constant 6272 : i32
      %dma_wait3A_321 = tpu.memref_slice %arg8[%dma_wait3A_320] : memref<15680xi32, #tpu.memory_space<vmem>> -> memref<1568xi32, #tpu.memory_space<vmem>>
      %dma_wait3A_322 = tpu.memref_slice %arg4[%add3A_12] : memref<501760xi32, #tpu.memory_space<hbm>> -> memref<1568xi32, #tpu.memory_space<hbm>>
      tpu.wait_dma2 semaphore(%run_scoped3A : memref<!tpu.dma_semaphore, #tpu.memory_space<semaphore_mem>>) src(%dma_wait3A_322 : memref<1568xi32, #tpu.memory_space<hbm>>) dst(%dma_wait3A_321 : memref<1568xi32, #tpu.memory_space<vmem>>)
      tpu.yield
    }) : () -> ()
    %add3A_13 = arith.constant 250880 : i32
    %add3A_14 = arith.addi %add3A_13, %mul3A_2 : i32
    "tpu.region"() ({
      %run_scoped3A = tpu.sem_alloc : memref<!tpu.dma_semaphore, #tpu.memory_space<semaphore_mem>>
      %dma_start3A_311 = arith.constant 7840 : i32
      %dma_start3A_312 = tpu.memref_slice %arg8[%dma_start3A_311] : memref<15680xi32, #tpu.memory_space<vmem>> -> memref<1568xi32, #tpu.memory_space<vmem>>
      %dma_start3A_313 = tpu.memref_slice %arg4[%add3A_14] : memref<501760xi32, #tpu.memory_space<hbm>> -> memref<1568xi32, #tpu.memory_space<hbm>>
      %dma_start3A_314 = arith.constant 7840 : i32
      %dma_start3A_315 = tpu.memref_slice %arg8[%dma_start3A_314] : memref<15680xi32, #tpu.memory_space<vmem>> -> memref<1568xi32, #tpu.memory_space<vmem>>
      %dma_start3A_316 = tpu.memref_slice %arg4[%add3A_14] : memref<501760xi32, #tpu.memory_space<hbm>> -> memref<1568xi32, #tpu.memory_space<hbm>>
      tpu.enqueue_dma source(%dma_start3A_316 : memref<1568xi32, #tpu.memory_space<hbm>>) target(%dma_start3A_315 : memref<1568xi32, #tpu.memory_space<vmem>>) target_semaphore(%run_scoped3A : memref<!tpu.dma_semaphore, #tpu.memory_space<semaphore_mem>>)
      %dma_wait3A_317 = arith.constant 7840 : i32
      %dma_wait3A_318 = tpu.memref_slice %arg8[%dma_wait3A_317] : memref<15680xi32, #tpu.memory_space<vmem>> -> memref<1568xi32, #tpu.memory_space<vmem>>
      %dma_wait3A_319 = tpu.memref_slice %arg4[%add3A_14] : memref<501760xi32, #tpu.memory_space<hbm>> -> memref<1568xi32, #tpu.memory_space<hbm>>
      %dma_wait3A_320 = arith.constant 7840 : i32
      %dma_wait3A_321 = tpu.memref_slice %arg8[%dma_wait3A_320] : memref<15680xi32, #tpu.memory_space<vmem>> -> memref<1568xi32, #tpu.memory_space<vmem>>
      %dma_wait3A_322 = tpu.memref_slice %arg4[%add3A_14] : memref<501760xi32, #tpu.memory_space<hbm>> -> memref<1568xi32, #tpu.memory_space<hbm>>
      tpu.wait_dma2 semaphore(%run_scoped3A : memref<!tpu.dma_semaphore, #tpu.memory_space<semaphore_mem>>) src(%dma_wait3A_322 : memref<1568xi32, #tpu.memory_space<hbm>>) dst(%dma_wait3A_321 : memref<1568xi32, #tpu.memory_space<vmem>>)
      tpu.yield
    }) : () -> ()
    %add3A_15 = arith.constant 301056 : i32
    %add3A_16 = arith.addi %add3A_15, %mul3A_2 : i32
    "tpu.region"() ({
      %run_scoped3A = tpu.sem_alloc : memref<!tpu.dma_semaphore, #tpu.memory_space<semaphore_mem>>
      %dma_start3A_311 = arith.constant 9408 : i32
      %dma_start3A_312 = tpu.memref_slice %arg8[%dma_start3A_311] : memref<15680xi32, #tpu.memory_space<vmem>> -> memref<1568xi32, #tpu.memory_space<vmem>>
      %dma_start3A_313 = tpu.memref_slice %arg4[%add3A_16] : memref<501760xi32, #tpu.memory_space<hbm>> -> memref<1568xi32, #tpu.memory_space<hbm>>
      %dma_start3A_314 = arith.constant 9408 : i32
      %dma_start3A_315 = tpu.memref_slice %arg8[%dma_start3A_314] : memref<15680xi32, #tpu.memory_space<vmem>> -> memref<1568xi32, #tpu.memory_space<vmem>>
      %dma_start3A_316 = tpu.memref_slice %arg4[%add3A_16] : memref<501760xi32, #tpu.memory_space<hbm>> -> memref<1568xi32, #tpu.memory_space<hbm>>
      tpu.enqueue_dma source(%dma_start3A_316 : memref<1568xi32, #tpu.memory_space<hbm>>) target(%dma_start3A_315 : memref<1568xi32, #tpu.memory_space<vmem>>) target_semaphore(%run_scoped3A : memref<!tpu.dma_semaphore, #tpu.memory_space<semaphore_mem>>)
      %dma_wait3A_317 = arith.constant 9408 : i32
      %dma_wait3A_318 = tpu.memref_slice %arg8[%dma_wait3A_317] : memref<15680xi32, #tpu.memory_space<vmem>> -> memref<1568xi32, #tpu.memory_space<vmem>>
      %dma_wait3A_319 = tpu.memref_slice %arg4[%add3A_16] : memref<501760xi32, #tpu.memory_space<hbm>> -> memref<1568xi32, #tpu.memory_space<hbm>>
      %dma_wait3A_320 = arith.constant 9408 : i32
      %dma_wait3A_321 = tpu.memref_slice %arg8[%dma_wait3A_320] : memref<15680xi32, #tpu.memory_space<vmem>> -> memref<1568xi32, #tpu.memory_space<vmem>>
      %dma_wait3A_322 = tpu.memref_slice %arg4[%add3A_16] : memref<501760xi32, #tpu.memory_space<hbm>> -> memref<1568xi32, #tpu.memory_space<hbm>>
      tpu.wait_dma2 semaphore(%run_scoped3A : memref<!tpu.dma_semaphore, #tpu.memory_space<semaphore_mem>>) src(%dma_wait3A_322 : memref<1568xi32, #tpu.memory_space<hbm>>) dst(%dma_wait3A_321 : memref<1568xi32, #tpu.memory_space<vmem>>)
      tpu.yield
    }) : () -> ()
    %add3A_17 = arith.constant 351232 : i32
    %add3A_18 = arith.addi %add3A_17, %mul3A_2 : i32
    "tpu.region"() ({
      %run_scoped3A = tpu.sem_alloc : memref<!tpu.dma_semaphore, #tpu.memory_space<semaphore_mem>>
      %dma_start3A_311 = arith.constant 10976 : i32
      %dma_start3A_312 = tpu.memref_slice %arg8[%dma_start3A_311] : memref<15680xi32, #tpu.memory_space<vmem>> -> memref<1568xi32, #tpu.memory_space<vmem>>
      %dma_start3A_313 = tpu.memref_slice %arg4[%add3A_18] : memref<501760xi32, #tpu.memory_space<hbm>> -> memref<1568xi32, #tpu.memory_space<hbm>>
      %dma_start3A_314 = arith.constant 10976 : i32
      %dma_start3A_315 = tpu.memref_slice %arg8[%dma_start3A_314] : memref<15680xi32, #tpu.memory_space<vmem>> -> memref<1568xi32, #tpu.memory_space<vmem>>
      %dma_start3A_316 = tpu.memref_slice %arg4[%add3A_18] : memref<501760xi32, #tpu.memory_space<hbm>> -> memref<1568xi32, #tpu.memory_space<hbm>>
      tpu.enqueue_dma source(%dma_start3A_316 : memref<1568xi32, #tpu.memory_space<hbm>>) target(%dma_start3A_315 : memref<1568xi32, #tpu.memory_space<vmem>>) target_semaphore(%run_scoped3A : memref<!tpu.dma_semaphore, #tpu.memory_space<semaphore_mem>>)
      %dma_wait3A_317 = arith.constant 10976 : i32
      %dma_wait3A_318 = tpu.memref_slice %arg8[%dma_wait3A_317] : memref<15680xi32, #tpu.memory_space<vmem>> -> memref<1568xi32, #tpu.memory_space<vmem>>
      %dma_wait3A_319 = tpu.memref_slice %arg4[%add3A_18] : memref<501760xi32, #tpu.memory_space<hbm>> -> memref<1568xi32, #tpu.memory_space<hbm>>
      %dma_wait3A_320 = arith.constant 10976 : i32
      %dma_wait3A_321 = tpu.memref_slice %arg8[%dma_wait3A_320] : memref<15680xi32, #tpu.memory_space<vmem>> -> memref<1568xi32, #tpu.memory_space<vmem>>
      %dma_wait3A_322 = tpu.memref_slice %arg4[%add3A_18] : memref<501760xi32, #tpu.memory_space<hbm>> -> memref<1568xi32, #tpu.memory_space<hbm>>
      tpu.wait_dma2 semaphore(%run_scoped3A : memref<!tpu.dma_semaphore, #tpu.memory_space<semaphore_mem>>) src(%dma_wait3A_322 : memref<1568xi32, #tpu.memory_space<hbm>>) dst(%dma_wait3A_321 : memref<1568xi32, #tpu.memory_space<vmem>>)
      tpu.yield
    }) : () -> ()
    %add3A_19 = arith.constant 401408 : i32
    %add3A_20 = arith.addi %add3A_19, %mul3A_2 : i32
    "tpu.region"() ({
      %run_scoped3A = tpu.sem_alloc : memref<!tpu.dma_semaphore, #tpu.memory_space<semaphore_mem>>
      %dma_start3A_311 = arith.constant 12544 : i32
      %dma_start3A_312 = tpu.memref_slice %arg8[%dma_start3A_311] : memref<15680xi32, #tpu.memory_space<vmem>> -> memref<1568xi32, #tpu.memory_space<vmem>>
      %dma_start3A_313 = tpu.memref_slice %arg4[%add3A_20] : memref<501760xi32, #tpu.memory_space<hbm>> -> memref<1568xi32, #tpu.memory_space<hbm>>
      %dma_start3A_314 = arith.constant 12544 : i32
      %dma_start3A_315 = tpu.memref_slice %arg8[%dma_start3A_314] : memref<15680xi32, #tpu.memory_space<vmem>> -> memref<1568xi32, #tpu.memory_space<vmem>>
      %dma_start3A_316 = tpu.memref_slice %arg4[%add3A_20] : memref<501760xi32, #tpu.memory_space<hbm>> -> memref<1568xi32, #tpu.memory_space<hbm>>
      tpu.enqueue_dma source(%dma_start3A_316 : memref<1568xi32, #tpu.memory_space<hbm>>) target(%dma_start3A_315 : memref<1568xi32, #tpu.memory_space<vmem>>) target_semaphore(%run_scoped3A : memref<!tpu.dma_semaphore, #tpu.memory_space<semaphore_mem>>)
      %dma_wait3A_317 = arith.constant 12544 : i32
      %dma_wait3A_318 = tpu.memref_slice %arg8[%dma_wait3A_317] : memref<15680xi32, #tpu.memory_space<vmem>> -> memref<1568xi32, #tpu.memory_space<vmem>>
      %dma_wait3A_319 = tpu.memref_slice %arg4[%add3A_20] : memref<501760xi32, #tpu.memory_space<hbm>> -> memref<1568xi32, #tpu.memory_space<hbm>>
      %dma_wait3A_320 = arith.constant 12544 : i32
      %dma_wait3A_321 = tpu.memref_slice %arg8[%dma_wait3A_320] : memref<15680xi32, #tpu.memory_space<vmem>> -> memref<1568xi32, #tpu.memory_space<vmem>>
      %dma_wait3A_322 = tpu.memref_slice %arg4[%add3A_20] : memref<501760xi32, #tpu.memory_space<hbm>> -> memref<1568xi32, #tpu.memory_space<hbm>>
      tpu.wait_dma2 semaphore(%run_scoped3A : memref<!tpu.dma_semaphore, #tpu.memory_space<semaphore_mem>>) src(%dma_wait3A_322 : memref<1568xi32, #tpu.memory_space<hbm>>) dst(%dma_wait3A_321 : memref<1568xi32, #tpu.memory_space<vmem>>)
      tpu.yield
    }) : () -> ()
    %add3A_21 = arith.constant 451584 : i32
    %add3A_22 = arith.addi %add3A_21, %mul3A_2 : i32
    "tpu.region"() ({
      %run_scoped3A = tpu.sem_alloc : memref<!tpu.dma_semaphore, #tpu.memory_space<semaphore_mem>>
      %dma_start3A_311 = arith.constant 14112 : i32
      %dma_start3A_312 = tpu.memref_slice %arg8[%dma_start3A_311] : memref<15680xi32, #tpu.memory_space<vmem>> -> memref<1568xi32, #tpu.memory_space<vmem>>
      %dma_start3A_313 = tpu.memref_slice %arg4[%add3A_22] : memref<501760xi32, #tpu.memory_space<hbm>> -> memref<1568xi32, #tpu.memory_space<hbm>>
      %dma_start3A_314 = arith.constant 14112 : i32
      %dma_start3A_315 = tpu.memref_slice %arg8[%dma_start3A_314] : memref<15680xi32, #tpu.memory_space<vmem>> -> memref<1568xi32, #tpu.memory_space<vmem>>
      %dma_start3A_316 = tpu.memref_slice %arg4[%add3A_22] : memref<501760xi32, #tpu.memory_space<hbm>> -> memref<1568xi32, #tpu.memory_space<hbm>>
      tpu.enqueue_dma source(%dma_start3A_316 : memref<1568xi32, #tpu.memory_space<hbm>>) target(%dma_start3A_315 : memref<1568xi32, #tpu.memory_space<vmem>>) target_semaphore(%run_scoped3A : memref<!tpu.dma_semaphore, #tpu.memory_space<semaphore_mem>>)
      %dma_wait3A_317 = arith.constant 14112 : i32
      %dma_wait3A_318 = tpu.memref_slice %arg8[%dma_wait3A_317] : memref<15680xi32, #tpu.memory_space<vmem>> -> memref<1568xi32, #tpu.memory_space<vmem>>
      %dma_wait3A_319 = tpu.memref_slice %arg4[%add3A_22] : memref<501760xi32, #tpu.memory_space<hbm>> -> memref<1568xi32, #tpu.memory_space<hbm>>
      %dma_wait3A_320 = arith.constant 14112 : i32
      %dma_wait3A_321 = tpu.memref_slice %arg8[%dma_wait3A_320] : memref<15680xi32, #tpu.memory_space<vmem>> -> memref<1568xi32, #tpu.memory_space<vmem>>
      %dma_wait3A_322 = tpu.memref_slice %arg4[%add3A_22] : memref<501760xi32, #tpu.memory_space<hbm>> -> memref<1568xi32, #tpu.memory_space<hbm>>
      tpu.wait_dma2 semaphore(%run_scoped3A : memref<!tpu.dma_semaphore, #tpu.memory_space<semaphore_mem>>) src(%dma_wait3A_322 : memref<1568xi32, #tpu.memory_space<hbm>>) dst(%dma_wait3A_321 : memref<1568xi32, #tpu.memory_space<vmem>>)
      tpu.yield
    }) : () -> ()
    %broadcast_in_dim3A = arith.constant 0.000000e+00 : f32
    %broadcast_in_dim3A_23 = vector.broadcast %broadcast_in_dim3A : f32 to vector<16xf32>
    %scan3A = arith.constant 0 : i32
    %scan3A_24 = arith.constant 0 : i32
    %scan3A_25 = arith.constant 56 : i32
    %scan3A_26 = arith.addi %scan3A_24, %scan3A_25 : i32
    %scan3A_27 = arith.constant 1 : i32
    scf.for %scan3A_311 = %scan3A_24 to %scan3A_26 step %scan3A_27  : i32 {
      %swap3A = arith.constant 0 : i32
      %swap3A_312 = arith.index_cast %swap3A : i32 to index
      %swap3A_313 = arith.index_cast %scan3A_311 : i32 to index
      %swap3A_314 = arith.constant 0 : index
      %swap3A_315 = tpu.vector_load %arg10[%swap3A_312, %swap3A_313, %swap3A_314] {strides = array<i32>} : memref<2x56x128xf32, #tpu.memory_space<vmem>>, vector<1x1x16xf32>,
      %swap3A_316 = vector.shape_cast %swap3A_315 : vector<1x1x16xf32> to vector<16xf32>
      %swap3A_317 = vector.shape_cast %broadcast_in_dim3A_23 : vector<16xf32> to vector<1x1x16xf32>
      tpu.vector_store %arg10[%swap3A_312, %swap3A_313, %swap3A_314], %swap3A_317 {strides = array<i32>} : memref<2x56x128xf32, #tpu.memory_space<vmem>>, vector<1x1x16xf32>,
      %swap3A_318 = arith.constant 0 : i32
      %swap3A_319 = arith.index_cast %swap3A_318 : i32 to index
      %swap3A_320 = arith.index_cast %scan3A_311 : i32 to index
      %swap3A_321 = arith.constant 16 : index
      %swap3A_322 = tpu.vector_load %arg10[%swap3A_319, %swap3A_320, %swap3A_321] {strides = array<i32>} : memref<2x56x128xf32, #tpu.memory_space<vmem>>, vector<1x1x16xf32>,
      %swap3A_323 = vector.shape_cast %swap3A_322 : vector<1x1x16xf32> to vector<16xf32>
      %swap3A_324 = vector.shape_cast %broadcast_in_dim3A_23 : vector<16xf32> to vector<1x1x16xf32>
      tpu.vector_store %arg10[%swap3A_319, %swap3A_320, %swap3A_321], %swap3A_324 {strides = array<i32>} : memref<2x56x128xf32, #tpu.memory_space<vmem>>, vector<1x1x16xf32>,
      %swap3A_325 = arith.constant 0 : i32
      %swap3A_326 = arith.index_cast %swap3A_325 : i32 to index
      %swap3A_327 = arith.index_cast %scan3A_311 : i32 to index
      %swap3A_328 = arith.constant 32 : index
      %swap3A_329 = tpu.vector_load %arg10[%swap3A_326, %swap3A_327, %swap3A_328] {strides = array<i32>} : memref<2x56x128xf32, #tpu.memory_space<vmem>>, vector<1x1x16xf32>,
      %swap3A_330 = vector.shape_cast %swap3A_329 : vector<1x1x16xf32> to vector<16xf32>
      %swap3A_331 = vector.shape_cast %broadcast_in_dim3A_23 : vector<16xf32> to vector<1x1x16xf32>
      tpu.vector_store %arg10[%swap3A_326, %swap3A_327, %swap3A_328], %swap3A_331 {strides = array<i32>} : memref<2x56x128xf32, #tpu.memory_space<vmem>>, vector<1x1x16xf32>,
      %swap3A_332 = arith.constant 0 : i32
      %swap3A_333 = arith.index_cast %swap3A_332 : i32 to index
      %swap3A_334 = arith.index_cast %scan3A_311 : i32 to index
      %swap3A_335 = arith.constant 48 : index
      %swap3A_336 = tpu.vector_load %arg10[%swap3A_333, %swap3A_334, %swap3A_335] {strides = array<i32>} : memref<2x56x128xf32, #tpu.memory_space<vmem>>, vector<1x1x16xf32>,
      %swap3A_337 = vector.shape_cast %swap3A_336 : vector<1x1x16xf32> to vector<16xf32>
      %swap3A_338 = vector.shape_cast %broadcast_in_dim3A_23 : vector<16xf32> to vector<1x1x16xf32>
      tpu.vector_store %arg10[%swap3A_333, %swap3A_334, %swap3A_335], %swap3A_338 {strides = array<i32>} : memref<2x56x128xf32, #tpu.memory_space<vmem>>, vector<1x1x16xf32>,
      %swap3A_339 = arith.constant 0 : i32
      %swap3A_340 = arith.index_cast %swap3A_339 : i32 to index
      %swap3A_341 = arith.index_cast %scan3A_311 : i32 to index
      %swap3A_342 = arith.constant 64 : index
      %swap3A_343 = tpu.vector_load %arg10[%swap3A_340, %swap3A_341, %swap3A_342] {strides = array<i32>} : memref<2x56x128xf32, #tpu.memory_space<vmem>>, vector<1x1x16xf32>,
      %swap3A_344 = vector.shape_cast %swap3A_343 : vector<1x1x16xf32> to vector<16xf32>
      %swap3A_345 = vector.shape_cast %broadcast_in_dim3A_23 : vector<16xf32> to vector<1x1x16xf32>
      tpu.vector_store %arg10[%swap3A_340, %swap3A_341, %swap3A_342], %swap3A_345 {strides = array<i32>} : memref<2x56x128xf32, #tpu.memory_space<vmem>>, vector<1x1x16xf32>,
      %swap3A_346 = arith.constant 0 : i32
      %swap3A_347 = arith.index_cast %swap3A_346 : i32 to index
      %swap3A_348 = arith.index_cast %scan3A_311 : i32 to index
      %swap3A_349 = arith.constant 80 : index
      %swap3A_350 = tpu.vector_load %arg10[%swap3A_347, %swap3A_348, %swap3A_349] {strides = array<i32>} : memref<2x56x128xf32, #tpu.memory_space<vmem>>, vector<1x1x16xf32>,
      %swap3A_351 = vector.shape_cast %swap3A_350 : vector<1x1x16xf32> to vector<16xf32>
      %swap3A_352 = vector.shape_cast %broadcast_in_dim3A_23 : vector<16xf32> to vector<1x1x16xf32>
      tpu.vector_store %arg10[%swap3A_347, %swap3A_348, %swap3A_349], %swap3A_352 {strides = array<i32>} : memref<2x56x128xf32, #tpu.memory_space<vmem>>, vector<1x1x16xf32>,
      %swap3A_353 = arith.constant 0 : i32
      %swap3A_354 = arith.index_cast %swap3A_353 : i32 to index
      %swap3A_355 = arith.index_cast %scan3A_311 : i32 to index
      %swap3A_356 = arith.constant 96 : index
      %swap3A_357 = tpu.vector_load %arg10[%swap3A_354, %swap3A_355, %swap3A_356] {strides = array<i32>} : memref<2x56x128xf32, #tpu.memory_space<vmem>>, vector<1x1x16xf32>,
      %swap3A_358 = vector.shape_cast %swap3A_357 : vector<1x1x16xf32> to vector<16xf32>
      %swap3A_359 = vector.shape_cast %broadcast_in_dim3A_23 : vector<16xf32> to vector<1x1x16xf32>
      tpu.vector_store %arg10[%swap3A_354, %swap3A_355, %swap3A_356], %swap3A_359 {strides = array<i32>} : memref<2x56x128xf32, #tpu.memory_space<vmem>>, vector<1x1x16xf32>,
      %swap3A_360 = arith.constant 0 : i32
      %swap3A_361 = arith.index_cast %swap3A_360 : i32 to index
      %swap3A_362 = arith.index_cast %scan3A_311 : i32 to index
      %swap3A_363 = arith.constant 112 : index
      %swap3A_364 = tpu.vector_load %arg10[%swap3A_361, %swap3A_362, %swap3A_363] {strides = array<i32>} : memref<2x56x128xf32, #tpu.memory_space<vmem>>, vector<1x1x16xf32>,
      %swap3A_365 = vector.shape_cast %swap3A_364 : vector<1x1x16xf32> to vector<16xf32>
      %swap3A_366 = vector.shape_cast %broadcast_in_dim3A_23 : vector<16xf32> to vector<1x1x16xf32>
      tpu.vector_store %arg10[%swap3A_361, %swap3A_362, %swap3A_363], %swap3A_366 {strides = array<i32>} : memref<2x56x128xf32, #tpu.memory_space<vmem>>, vector<1x1x16xf32>,
    }
    %scan3A_28 = arith.constant 56 : i32
    %dma_start3A = arith.constant 0 : i32
    %dma_start3A_29 = arith.constant 0 : i32
    %dma_start3A_30 = arith.constant 0 : i32
    %dma_start3A_31 = tpu.memref_slice %arg9[%dma_start3A, %dma_start3A_29, %dma_start3A_30] : memref<2x56x128xf32, #tpu.memory_space<vmem>> -> memref<1x56x128xf32, #tpu.memory_space<vmem>>
    %dma_start3A_32 = tpu.memref_squeeze %dma_start3A_31 : memref<1x56x128xf32, #tpu.memory_space<vmem>> -> memref<56x128xf32, #tpu.memory_space<vmem>>
    %dma_start3A_33 = arith.constant 0 : i32
    %dma_start3A_34 = tpu.memref_slice %arg7[%dma_start3A_33] : memref<1568xi32, #tpu.memory_space<vmem>> -> memref<56xi32, #tpu.memory_space<vmem>>
    %dma_start3A_35 = arith.constant 0 : i32
    %dma_start3A_36 = arith.constant 0 : i32
    %dma_start3A_37 = tpu.memref_slice %arg2[%dma_start3A_35, %dma_start3A_36] : memref<50000x128xf32, #tpu.memory_space<hbm>> -> memref<50000x128xf32, #tpu.memory_space<hbm>>
    tpu.enqueue_indirect_dma source(%dma_start3A_37 : memref<50000x128xf32, #tpu.memory_space<hbm>>) target(%dma_start3A_32 : memref<56x128xf32, #tpu.memory_space<vmem>>) offsets(%dma_start3A_34 : memref<56xi32, #tpu.memory_space<vmem>>) semaphore(%arg11 : memref<!tpu.dma_semaphore, #tpu.memory_space<semaphore_mem>>)
    %dma_start3A_38 = arith.constant 0 : i32
    %dma_start3A_39 = arith.constant 0 : i32
    %dma_start3A_40 = arith.constant 0 : i32
    %dma_start3A_41 = tpu.memref_slice %arg10[%dma_start3A_38, %dma_start3A_39, %dma_start3A_40] : memref<2x56x128xf32, #tpu.memory_space<vmem>> -> memref<1x56x128xf32, #tpu.memory_space<vmem>>
    %dma_start3A_42 = tpu.memref_squeeze %dma_start3A_41 : memref<1x56x128xf32, #tpu.memory_space<vmem>> -> memref<56x128xf32, #tpu.memory_space<vmem>>
    %dma_start3A_43 = arith.constant 0 : i32
    %dma_start3A_44 = tpu.memref_slice %arg8[%dma_start3A_43] : memref<15680xi32, #tpu.memory_space<vmem>> -> memref<56xi32, #tpu.memory_space<vmem>>
    %dma_start3A_45 = arith.constant 0 : i32
    %dma_start3A_46 = arith.constant 0 : i32
    %dma_start3A_47 = tpu.memref_slice %arg2[%dma_start3A_45, %dma_start3A_46] : memref<50000x128xf32, #tpu.memory_space<hbm>> -> memref<50000x128xf32, #tpu.memory_space<hbm>>
    tpu.enqueue_indirect_dma source(%dma_start3A_47 : memref<50000x128xf32, #tpu.memory_space<hbm>>) target(%dma_start3A_42 : memref<56x128xf32, #tpu.memory_space<vmem>>) offsets(%dma_start3A_44 : memref<56xi32, #tpu.memory_space<vmem>>) semaphore(%arg11 : memref<!tpu.dma_semaphore, #tpu.memory_space<semaphore_mem>>) {add = true}
    %dma_start3A_48 = arith.constant 0 : i32
    %dma_start3A_49 = arith.constant 0 : i32
    %dma_start3A_50 = arith.constant 0 : i32
    %dma_start3A_51 = tpu.memref_slice %arg10[%dma_start3A_48, %dma_start3A_49, %dma_start3A_50] : memref<2x56x128xf32, #tpu.memory_space<vmem>> -> memref<1x56x128xf32, #tpu.memory_space<vmem>>
    %dma_start3A_52 = tpu.memref_squeeze %dma_start3A_51 : memref<1x56x128xf32, #tpu.memory_space<vmem>> -> memref<56x128xf32, #tpu.memory_space<vmem>>
    %dma_start3A_53 = arith.constant 1568 : i32
    %dma_start3A_54 = tpu.memref_slice %arg8[%dma_start3A_53] : memref<15680xi32, #tpu.memory_space<vmem>> -> memref<56xi32, #tpu.memory_space<vmem>>
    %dma_start3A_55 = arith.constant 0 : i32
    %dma_start3A_56 = arith.constant 0 : i32
    %dma_start3A_57 = tpu.memref_slice %arg2[%dma_start3A_55, %dma_start3A_56] : memref<50000x128xf32, #tpu.memory_space<hbm>> -> memref<50000x128xf32, #tpu.memory_space<hbm>>
    tpu.enqueue_indirect_dma source(%dma_start3A_57 : memref<50000x128xf32, #tpu.memory_space<hbm>>) target(%dma_start3A_52 : memref<56x128xf32, #tpu.memory_space<vmem>>) offsets(%dma_start3A_54 : memref<56xi32, #tpu.memory_space<vmem>>) semaphore(%arg11 : memref<!tpu.dma_semaphore, #tpu.memory_space<semaphore_mem>>) {add = true}
    %dma_start3A_58 = arith.constant 0 : i32
    %dma_start3A_59 = arith.constant 0 : i32
    %dma_start3A_60 = arith.constant 0 : i32
    %dma_start3A_61 = tpu.memref_slice %arg10[%dma_start3A_58, %dma_start3A_59, %dma_start3A_60] : memref<2x56x128xf32, #tpu.memory_space<vmem>> -> memref<1x56x128xf32, #tpu.memory_space<vmem>>
    %dma_start3A_62 = tpu.memref_squeeze %dma_start3A_61 : memref<1x56x128xf32, #tpu.memory_space<vmem>> -> memref<56x128xf32, #tpu.memory_space<vmem>>
    %dma_start3A_63 = arith.constant 3136 : i32
    %dma_start3A_64 = tpu.memref_slice %arg8[%dma_start3A_63] : memref<15680xi32, #tpu.memory_space<vmem>> -> memref<56xi32, #tpu.memory_space<vmem>>
    %dma_start3A_65 = arith.constant 0 : i32
    %dma_start3A_66 = arith.constant 0 : i32
    %dma_start3A_67 = tpu.memref_slice %arg2[%dma_start3A_65, %dma_start3A_66] : memref<50000x128xf32, #tpu.memory_space<hbm>> -> memref<50000x128xf32, #tpu.memory_space<hbm>>
    tpu.enqueue_indirect_dma source(%dma_start3A_67 : memref<50000x128xf32, #tpu.memory_space<hbm>>) target(%dma_start3A_62 : memref<56x128xf32, #tpu.memory_space<vmem>>) offsets(%dma_start3A_64 : memref<56xi32, #tpu.memory_space<vmem>>) semaphore(%arg11 : memref<!tpu.dma_semaphore, #tpu.memory_space<semaphore_mem>>) {add = true}
    %dma_start3A_68 = arith.constant 0 : i32
    %dma_start3A_69 = arith.constant 0 : i32
    %dma_start3A_70 = arith.constant 0 : i32
    %dma_start3A_71 = tpu.memref_slice %arg10[%dma_start3A_68, %dma_start3A_69, %dma_start3A_70] : memref<2x56x128xf32, #tpu.memory_space<vmem>> -> memref<1x56x128xf32, #tpu.memory_space<vmem>>
    %dma_start3A_72 = tpu.memref_squeeze %dma_start3A_71 : memref<1x56x128xf32, #tpu.memory_space<vmem>> -> memref<56x128xf32, #tpu.memory_space<vmem>>
    %dma_start3A_73 = arith.constant 4704 : i32
    %dma_start3A_74 = tpu.memref_slice %arg8[%dma_start3A_73] : memref<15680xi32, #tpu.memory_space<vmem>> -> memref<56xi32, #tpu.memory_space<vmem>>
    %dma_start3A_75 = arith.constant 0 : i32
    %dma_start3A_76 = arith.constant 0 : i32
    %dma_start3A_77 = tpu.memref_slice %arg2[%dma_start3A_75, %dma_start3A_76] : memref<50000x128xf32, #tpu.memory_space<hbm>> -> memref<50000x128xf32, #tpu.memory_space<hbm>>
    tpu.enqueue_indirect_dma source(%dma_start3A_77 : memref<50000x128xf32, #tpu.memory_space<hbm>>) target(%dma_start3A_72 : memref<56x128xf32, #tpu.memory_space<vmem>>) offsets(%dma_start3A_74 : memref<56xi32, #tpu.memory_space<vmem>>) semaphore(%arg11 : memref<!tpu.dma_semaphore, #tpu.memory_space<semaphore_mem>>) {add = true}
    %dma_start3A_78 = arith.constant 0 : i32
    %dma_start3A_79 = arith.constant 0 : i32
    %dma_start3A_80 = arith.constant 0 : i32
    %dma_start3A_81 = tpu.memref_slice %arg10[%dma_start3A_78, %dma_start3A_79, %dma_start3A_80] : memref<2x56x128xf32, #tpu.memory_space<vmem>> -> memref<1x56x128xf32, #tpu.memory_space<vmem>>
    %dma_start3A_82 = tpu.memref_squeeze %dma_start3A_81 : memref<1x56x128xf32, #tpu.memory_space<vmem>> -> memref<56x128xf32, #tpu.memory_space<vmem>>
    %dma_start3A_83 = arith.constant 6272 : i32
    %dma_start3A_84 = tpu.memref_slice %arg8[%dma_start3A_83] : memref<15680xi32, #tpu.memory_space<vmem>> -> memref<56xi32, #tpu.memory_space<vmem>>
    %dma_start3A_85 = arith.constant 0 : i32
    %dma_start3A_86 = arith.constant 0 : i32
    %dma_start3A_87 = tpu.memref_slice %arg2[%dma_start3A_85, %dma_start3A_86] : memref<50000x128xf32, #tpu.memory_space<hbm>> -> memref<50000x128xf32, #tpu.memory_space<hbm>>
    tpu.enqueue_indirect_dma source(%dma_start3A_87 : memref<50000x128xf32, #tpu.memory_space<hbm>>) target(%dma_start3A_82 : memref<56x128xf32, #tpu.memory_space<vmem>>) offsets(%dma_start3A_84 : memref<56xi32, #tpu.memory_space<vmem>>) semaphore(%arg11 : memref<!tpu.dma_semaphore, #tpu.memory_space<semaphore_mem>>) {add = true}
    %dma_start3A_88 = arith.constant 0 : i32
    %dma_start3A_89 = arith.constant 0 : i32
    %dma_start3A_90 = arith.constant 0 : i32
    %dma_start3A_91 = tpu.memref_slice %arg10[%dma_start3A_88, %dma_start3A_89, %dma_start3A_90] : memref<2x56x128xf32, #tpu.memory_space<vmem>> -> memref<1x56x128xf32, #tpu.memory_space<vmem>>
    %dma_start3A_92 = tpu.memref_squeeze %dma_start3A_91 : memref<1x56x128xf32, #tpu.memory_space<vmem>> -> memref<56x128xf32, #tpu.memory_space<vmem>>
    %dma_start3A_93 = arith.constant 7840 : i32
    %dma_start3A_94 = tpu.memref_slice %arg8[%dma_start3A_93] : memref<15680xi32, #tpu.memory_space<vmem>> -> memref<56xi32, #tpu.memory_space<vmem>>
    %dma_start3A_95 = arith.constant 0 : i32
    %dma_start3A_96 = arith.constant 0 : i32
    %dma_start3A_97 = tpu.memref_slice %arg2[%dma_start3A_95, %dma_start3A_96] : memref<50000x128xf32, #tpu.memory_space<hbm>> -> memref<50000x128xf32, #tpu.memory_space<hbm>>
    tpu.enqueue_indirect_dma source(%dma_start3A_97 : memref<50000x128xf32, #tpu.memory_space<hbm>>) target(%dma_start3A_92 : memref<56x128xf32, #tpu.memory_space<vmem>>) offsets(%dma_start3A_94 : memref<56xi32, #tpu.memory_space<vmem>>) semaphore(%arg11 : memref<!tpu.dma_semaphore, #tpu.memory_space<semaphore_mem>>) {add = true}
    %dma_start3A_98 = arith.constant 0 : i32
    %dma_start3A_99 = arith.constant 0 : i32
    %dma_start3A_100 = arith.constant 0 : i32
    %dma_start3A_101 = tpu.memref_slice %arg10[%dma_start3A_98, %dma_start3A_99, %dma_start3A_100] : memref<2x56x128xf32, #tpu.memory_space<vmem>> -> memref<1x56x128xf32, #tpu.memory_space<vmem>>
    %dma_start3A_102 = tpu.memref_squeeze %dma_start3A_101 : memref<1x56x128xf32, #tpu.memory_space<vmem>> -> memref<56x128xf32, #tpu.memory_space<vmem>>
    %dma_start3A_103 = arith.constant 9408 : i32
    %dma_start3A_104 = tpu.memref_slice %arg8[%dma_start3A_103] : memref<15680xi32, #tpu.memory_space<vmem>> -> memref<56xi32, #tpu.memory_space<vmem>>
    %dma_start3A_105 = arith.constant 0 : i32
    %dma_start3A_106 = arith.constant 0 : i32
    %dma_start3A_107 = tpu.memref_slice %arg2[%dma_start3A_105, %dma_start3A_106] : memref<50000x128xf32, #tpu.memory_space<hbm>> -> memref<50000x128xf32, #tpu.memory_space<hbm>>
    tpu.enqueue_indirect_dma source(%dma_start3A_107 : memref<50000x128xf32, #tpu.memory_space<hbm>>) target(%dma_start3A_102 : memref<56x128xf32, #tpu.memory_space<vmem>>) offsets(%dma_start3A_104 : memref<56xi32, #tpu.memory_space<vmem>>) semaphore(%arg11 : memref<!tpu.dma_semaphore, #tpu.memory_space<semaphore_mem>>) {add = true}
    %dma_start3A_108 = arith.constant 0 : i32
    %dma_start3A_109 = arith.constant 0 : i32
    %dma_start3A_110 = arith.constant 0 : i32
    %dma_start3A_111 = tpu.memref_slice %arg10[%dma_start3A_108, %dma_start3A_109, %dma_start3A_110] : memref<2x56x128xf32, #tpu.memory_space<vmem>> -> memref<1x56x128xf32, #tpu.memory_space<vmem>>
    %dma_start3A_112 = tpu.memref_squeeze %dma_start3A_111 : memref<1x56x128xf32, #tpu.memory_space<vmem>> -> memref<56x128xf32, #tpu.memory_space<vmem>>
    %dma_start3A_113 = arith.constant 10976 : i32
    %dma_start3A_114 = tpu.memref_slice %arg8[%dma_start3A_113] : memref<15680xi32, #tpu.memory_space<vmem>> -> memref<56xi32, #tpu.memory_space<vmem>>
    %dma_start3A_115 = arith.constant 0 : i32
    %dma_start3A_116 = arith.constant 0 : i32
    %dma_start3A_117 = tpu.memref_slice %arg2[%dma_start3A_115, %dma_start3A_116] : memref<50000x128xf32, #tpu.memory_space<hbm>> -> memref<50000x128xf32, #tpu.memory_space<hbm>>
    tpu.enqueue_indirect_dma source(%dma_start3A_117 : memref<50000x128xf32, #tpu.memory_space<hbm>>) target(%dma_start3A_112 : memref<56x128xf32, #tpu.memory_space<vmem>>) offsets(%dma_start3A_114 : memref<56xi32, #tpu.memory_space<vmem>>) semaphore(%arg11 : memref<!tpu.dma_semaphore, #tpu.memory_space<semaphore_mem>>) {add = true}
    %dma_start3A_118 = arith.constant 0 : i32
    %dma_start3A_119 = arith.constant 0 : i32
    %dma_start3A_120 = arith.constant 0 : i32
    %dma_start3A_121 = tpu.memref_slice %arg10[%dma_start3A_118, %dma_start3A_119, %dma_start3A_120] : memref<2x56x128xf32, #tpu.memory_space<vmem>> -> memref<1x56x128xf32, #tpu.memory_space<vmem>>
    %dma_start3A_122 = tpu.memref_squeeze %dma_start3A_121 : memref<1x56x128xf32, #tpu.memory_space<vmem>> -> memref<56x128xf32, #tpu.memory_space<vmem>>
    %dma_start3A_123 = arith.constant 12544 : i32
    %dma_start3A_124 = tpu.memref_slice %arg8[%dma_start3A_123] : memref<15680xi32, #tpu.memory_space<vmem>> -> memref<56xi32, #tpu.memory_space<vmem>>
    %dma_start3A_125 = arith.constant 0 : i32
    %dma_start3A_126 = arith.constant 0 : i32
    %dma_start3A_127 = tpu.memref_slice %arg2[%dma_start3A_125, %dma_start3A_126] : memref<50000x128xf32, #tpu.memory_space<hbm>> -> memref<50000x128xf32, #tpu.memory_space<hbm>>
    tpu.enqueue_indirect_dma source(%dma_start3A_127 : memref<50000x128xf32, #tpu.memory_space<hbm>>) target(%dma_start3A_122 : memref<56x128xf32, #tpu.memory_space<vmem>>) offsets(%dma_start3A_124 : memref<56xi32, #tpu.memory_space<vmem>>) semaphore(%arg11 : memref<!tpu.dma_semaphore, #tpu.memory_space<semaphore_mem>>) {add = true}
    %dma_start3A_128 = arith.constant 0 : i32
    %dma_start3A_129 = arith.constant 0 : i32
    %dma_start3A_130 = arith.constant 0 : i32
    %dma_start3A_131 = tpu.memref_slice %arg10[%dma_start3A_128, %dma_start3A_129, %dma_start3A_130] : memref<2x56x128xf32, #tpu.memory_space<vmem>> -> memref<1x56x128xf32, #tpu.memory_space<vmem>>
    %dma_start3A_132 = tpu.memref_squeeze %dma_start3A_131 : memref<1x56x128xf32, #tpu.memory_space<vmem>> -> memref<56x128xf32, #tpu.memory_space<vmem>>
    %dma_start3A_133 = arith.constant 14112 : i32
    %dma_start3A_134 = tpu.memref_slice %arg8[%dma_start3A_133] : memref<15680xi32, #tpu.memory_space<vmem>> -> memref<56xi32, #tpu.memory_space<vmem>>
    %dma_start3A_135 = arith.constant 0 : i32
    %dma_start3A_136 = arith.constant 0 : i32
    %dma_start3A_137 = tpu.memref_slice %arg2[%dma_start3A_135, %dma_start3A_136] : memref<50000x128xf32, #tpu.memory_space<hbm>> -> memref<50000x128xf32, #tpu.memory_space<hbm>>
    tpu.enqueue_indirect_dma source(%dma_start3A_137 : memref<50000x128xf32, #tpu.memory_space<hbm>>) target(%dma_start3A_132 : memref<56x128xf32, #tpu.memory_space<vmem>>) offsets(%dma_start3A_134 : memref<56xi32, #tpu.memory_space<vmem>>) semaphore(%arg11 : memref<!tpu.dma_semaphore, #tpu.memory_space<semaphore_mem>>) {add = true}
    %scan3A_138 = arith.constant 0 : i32
    %scan3A_139 = arith.constant 0 : i32
    %scan3A_140 = arith.constant 56 : i32
    %scan3A_141 = arith.addi %scan3A_139, %scan3A_140 : i32
    %scan3A_142 = arith.constant 1 : i32
    scf.for %scan3A_311 = %scan3A_139 to %scan3A_141 step %scan3A_142  : i32 {
      %swap3A = arith.constant 1 : i32
      %swap3A_312 = arith.index_cast %swap3A : i32 to index
      %swap3A_313 = arith.index_cast %scan3A_311 : i32 to index
      %swap3A_314 = arith.constant 0 : index
      %swap3A_315 = tpu.vector_load %arg10[%swap3A_312, %swap3A_313, %swap3A_314] {strides = array<i32>} : memref<2x56x128xf32, #tpu.memory_space<vmem>>, vector<1x1x16xf32>,
      %swap3A_316 = vector.shape_cast %swap3A_315 : vector<1x1x16xf32> to vector<16xf32>
      %swap3A_317 = vector.shape_cast %broadcast_in_dim3A_23 : vector<16xf32> to vector<1x1x16xf32>
      tpu.vector_store %arg10[%swap3A_312, %swap3A_313, %swap3A_314], %swap3A_317 {strides = array<i32>} : memref<2x56x128xf32, #tpu.memory_space<vmem>>, vector<1x1x16xf32>,
      %swap3A_318 = arith.constant 1 : i32
      %swap3A_319 = arith.index_cast %swap3A_318 : i32 to index
      %swap3A_320 = arith.index_cast %scan3A_311 : i32 to index
      %swap3A_321 = arith.constant 16 : index
      %swap3A_322 = tpu.vector_load %arg10[%swap3A_319, %swap3A_320, %swap3A_321] {strides = array<i32>} : memref<2x56x128xf32, #tpu.memory_space<vmem>>, vector<1x1x16xf32>,
      %swap3A_323 = vector.shape_cast %swap3A_322 : vector<1x1x16xf32> to vector<16xf32>
      %swap3A_324 = vector.shape_cast %broadcast_in_dim3A_23 : vector<16xf32> to vector<1x1x16xf32>
      tpu.vector_store %arg10[%swap3A_319, %swap3A_320, %swap3A_321], %swap3A_324 {strides = array<i32>} : memref<2x56x128xf32, #tpu.memory_space<vmem>>, vector<1x1x16xf32>,
      %swap3A_325 = arith.constant 1 : i32
      %swap3A_326 = arith.index_cast %swap3A_325 : i32 to index
      %swap3A_327 = arith.index_cast %scan3A_311 : i32 to index
      %swap3A_328 = arith.constant 32 : index
      %swap3A_329 = tpu.vector_load %arg10[%swap3A_326, %swap3A_327, %swap3A_328] {strides = array<i32>} : memref<2x56x128xf32, #tpu.memory_space<vmem>>, vector<1x1x16xf32>,
      %swap3A_330 = vector.shape_cast %swap3A_329 : vector<1x1x16xf32> to vector<16xf32>
      %swap3A_331 = vector.shape_cast %broadcast_in_dim3A_23 : vector<16xf32> to vector<1x1x16xf32>
      tpu.vector_store %arg10[%swap3A_326, %swap3A_327, %swap3A_328], %swap3A_331 {strides = array<i32>} : memref<2x56x128xf32, #tpu.memory_space<vmem>>, vector<1x1x16xf32>,
      %swap3A_332 = arith.constant 1 : i32
      %swap3A_333 = arith.index_cast %swap3A_332 : i32 to index
      %swap3A_334 = arith.index_cast %scan3A_311 : i32 to index
      %swap3A_335 = arith.constant 48 : index
      %swap3A_336 = tpu.vector_load %arg10[%swap3A_333, %swap3A_334, %swap3A_335] {strides = array<i32>} : memref<2x56x128xf32, #tpu.memory_space<vmem>>, vector<1x1x16xf32>,
      %swap3A_337 = vector.shape_cast %swap3A_336 : vector<1x1x16xf32> to vector<16xf32>
      %swap3A_338 = vector.shape_cast %broadcast_in_dim3A_23 : vector<16xf32> to vector<1x1x16xf32>
      tpu.vector_store %arg10[%swap3A_333, %swap3A_334, %swap3A_335], %swap3A_338 {strides = array<i32>} : memref<2x56x128xf32, #tpu.memory_space<vmem>>, vector<1x1x16xf32>,
      %swap3A_339 = arith.constant 1 : i32
      %swap3A_340 = arith.index_cast %swap3A_339 : i32 to index
      %swap3A_341 = arith.index_cast %scan3A_311 : i32 to index
      %swap3A_342 = arith.constant 64 : index
      %swap3A_343 = tpu.vector_load %arg10[%swap3A_340, %swap3A_341, %swap3A_342] {strides = array<i32>} : memref<2x56x128xf32, #tpu.memory_space<vmem>>, vector<1x1x16xf32>,
      %swap3A_344 = vector.shape_cast %swap3A_343 : vector<1x1x16xf32> to vector<16xf32>
      %swap3A_345 = vector.shape_cast %broadcast_in_dim3A_23 : vector<16xf32> to vector<1x1x16xf32>
      tpu.vector_store %arg10[%swap3A_340, %swap3A_341, %swap3A_342], %swap3A_345 {strides = array<i32>} : memref<2x56x128xf32, #tpu.memory_space<vmem>>, vector<1x1x16xf32>,
      %swap3A_346 = arith.constant 1 : i32
      %swap3A_347 = arith.index_cast %swap3A_346 : i32 to index
      %swap3A_348 = arith.index_cast %scan3A_311 : i32 to index
      %swap3A_349 = arith.constant 80 : index
      %swap3A_350 = tpu.vector_load %arg10[%swap3A_347, %swap3A_348, %swap3A_349] {strides = array<i32>} : memref<2x56x128xf32, #tpu.memory_space<vmem>>, vector<1x1x16xf32>,
      %swap3A_351 = vector.shape_cast %swap3A_350 : vector<1x1x16xf32> to vector<16xf32>
      %swap3A_352 = vector.shape_cast %broadcast_in_dim3A_23 : vector<16xf32> to vector<1x1x16xf32>
      tpu.vector_store %arg10[%swap3A_347, %swap3A_348, %swap3A_349], %swap3A_352 {strides = array<i32>} : memref<2x56x128xf32, #tpu.memory_space<vmem>>, vector<1x1x16xf32>,
      %swap3A_353 = arith.constant 1 : i32
      %swap3A_354 = arith.index_cast %swap3A_353 : i32 to index
      %swap3A_355 = arith.index_cast %scan3A_311 : i32 to index
      %swap3A_356 = arith.constant 96 : index
      %swap3A_357 = tpu.vector_load %arg10[%swap3A_354, %swap3A_355, %swap3A_356] {strides = array<i32>} : memref<2x56x128xf32, #tpu.memory_space<vmem>>, vector<1x1x16xf32>,
      %swap3A_358 = vector.shape_cast %swap3A_357 : vector<1x1x16xf32> to vector<16xf32>
      %swap3A_359 = vector.shape_cast %broadcast_in_dim3A_23 : vector<16xf32> to vector<1x1x16xf32>
      tpu.vector_store %arg10[%swap3A_354, %swap3A_355, %swap3A_356], %swap3A_359 {strides = array<i32>} : memref<2x56x128xf32, #tpu.memory_space<vmem>>, vector<1x1x16xf32>,
      %swap3A_360 = arith.constant 1 : i32
      %swap3A_361 = arith.index_cast %swap3A_360 : i32 to index
      %swap3A_362 = arith.index_cast %scan3A_311 : i32 to index
      %swap3A_363 = arith.constant 112 : index
      %swap3A_364 = tpu.vector_load %arg10[%swap3A_361, %swap3A_362, %swap3A_363] {strides = array<i32>} : memref<2x56x128xf32, #tpu.memory_space<vmem>>, vector<1x1x16xf32>,
      %swap3A_365 = vector.shape_cast %swap3A_364 : vector<1x1x16xf32> to vector<16xf32>
      %swap3A_366 = vector.shape_cast %broadcast_in_dim3A_23 : vector<16xf32> to vector<1x1x16xf32>
      tpu.vector_store %arg10[%swap3A_361, %swap3A_362, %swap3A_363], %swap3A_366 {strides = array<i32>} : memref<2x56x128xf32, #tpu.memory_space<vmem>>, vector<1x1x16xf32>,
    }
    %scan3A_143 = arith.constant 56 : i32
    %dma_start3A_144 = arith.constant 1 : i32
    %dma_start3A_145 = arith.constant 0 : i32
    %dma_start3A_146 = arith.constant 0 : i32
    %dma_start3A_147 = tpu.memref_slice %arg9[%dma_start3A_144, %dma_start3A_145, %dma_start3A_146] : memref<2x56x128xf32, #tpu.memory_space<vmem>> -> memref<1x56x128xf32, #tpu.memory_space<vmem>>
    %dma_start3A_148 = tpu.memref_squeeze %dma_start3A_147 : memref<1x56x128xf32, #tpu.memory_space<vmem>> -> memref<56x128xf32, #tpu.memory_space<vmem>>
    %dma_start3A_149 = arith.constant 56 : i32
    %dma_start3A_150 = tpu.memref_slice %arg7[%dma_start3A_149] : memref<1568xi32, #tpu.memory_space<vmem>> -> memref<56xi32, #tpu.memory_space<vmem>>
    %dma_start3A_151 = arith.constant 0 : i32
    %dma_start3A_152 = arith.constant 0 : i32
    %dma_start3A_153 = tpu.memref_slice %arg2[%dma_start3A_151, %dma_start3A_152] : memref<50000x128xf32, #tpu.memory_space<hbm>> -> memref<50000x128xf32, #tpu.memory_space<hbm>>
    tpu.enqueue_indirect_dma source(%dma_start3A_153 : memref<50000x128xf32, #tpu.memory_space<hbm>>) target(%dma_start3A_148 : memref<56x128xf32, #tpu.memory_space<vmem>>) offsets(%dma_start3A_150 : memref<56xi32, #tpu.memory_space<vmem>>) semaphore(%arg12 : memref<!tpu.dma_semaphore, #tpu.memory_space<semaphore_mem>>)
    %dma_start3A_154 = arith.constant 1 : i32
    %dma_start3A_155 = arith.constant 0 : i32
    %dma_start3A_156 = arith.constant 0 : i32
    %dma_start3A_157 = tpu.memref_slice %arg10[%dma_start3A_154, %dma_start3A_155, %dma_start3A_156] : memref<2x56x128xf32, #tpu.memory_space<vmem>> -> memref<1x56x128xf32, #tpu.memory_space<vmem>>
    %dma_start3A_158 = tpu.memref_squeeze %dma_start3A_157 : memref<1x56x128xf32, #tpu.memory_space<vmem>> -> memref<56x128xf32, #tpu.memory_space<vmem>>
    %dma_start3A_159 = arith.constant 56 : i32
    %dma_start3A_160 = tpu.memref_slice %arg8[%dma_start3A_159] : memref<15680xi32, #tpu.memory_space<vmem>> -> memref<56xi32, #tpu.memory_space<vmem>>
    %dma_start3A_161 = arith.constant 0 : i32
    %dma_start3A_162 = arith.constant 0 : i32
    %dma_start3A_163 = tpu.memref_slice %arg2[%dma_start3A_161, %dma_start3A_162] : memref<50000x128xf32, #tpu.memory_space<hbm>> -> memref<50000x128xf32, #tpu.memory_space<hbm>>
    tpu.enqueue_indirect_dma source(%dma_start3A_163 : memref<50000x128xf32, #tpu.memory_space<hbm>>) target(%dma_start3A_158 : memref<56x128xf32, #tpu.memory_space<vmem>>) offsets(%dma_start3A_160 : memref<56xi32, #tpu.memory_space<vmem>>) semaphore(%arg12 : memref<!tpu.dma_semaphore, #tpu.memory_space<semaphore_mem>>) {add = true}
    %dma_start3A_164 = arith.constant 1 : i32
    %dma_start3A_165 = arith.constant 0 : i32
    %dma_start3A_166 = arith.constant 0 : i32
    %dma_start3A_167 = tpu.memref_slice %arg10[%dma_start3A_164, %dma_start3A_165, %dma_start3A_166] : memref<2x56x128xf32, #tpu.memory_space<vmem>> -> memref<1x56x128xf32, #tpu.memory_space<vmem>>
    %dma_start3A_168 = tpu.memref_squeeze %dma_start3A_167 : memref<1x56x128xf32, #tpu.memory_space<vmem>> -> memref<56x128xf32, #tpu.memory_space<vmem>>
    %dma_start3A_169 = arith.constant 1624 : i32
    %dma_start3A_170 = tpu.memref_slice %arg8[%dma_start3A_169] : memref<15680xi32, #tpu.memory_space<vmem>> -> memref<56xi32, #tpu.memory_space<vmem>>
    %dma_start3A_171 = arith.constant 0 : i32
    %dma_start3A_172 = arith.constant 0 : i32
    %dma_start3A_173 = tpu.memref_slice %arg2[%dma_start3A_171, %dma_start3A_172] : memref<50000x128xf32, #tpu.memory_space<hbm>> -> memref<50000x128xf32, #tpu.memory_space<hbm>>
    tpu.enqueue_indirect_dma source(%dma_start3A_173 : memref<50000x128xf32, #tpu.memory_space<hbm>>) target(%dma_start3A_168 : memref<56x128xf32, #tpu.memory_space<vmem>>) offsets(%dma_start3A_170 : memref<56xi32, #tpu.memory_space<vmem>>) semaphore(%arg12 : memref<!tpu.dma_semaphore, #tpu.memory_space<semaphore_mem>>) {add = true}
    %dma_start3A_174 = arith.constant 1 : i32
    %dma_start3A_175 = arith.constant 0 : i32
    %dma_start3A_176 = arith.constant 0 : i32
    %dma_start3A_177 = tpu.memref_slice %arg10[%dma_start3A_174, %dma_start3A_175, %dma_start3A_176] : memref<2x56x128xf32, #tpu.memory_space<vmem>> -> memref<1x56x128xf32, #tpu.memory_space<vmem>>
    %dma_start3A_178 = tpu.memref_squeeze %dma_start3A_177 : memref<1x56x128xf32, #tpu.memory_space<vmem>> -> memref<56x128xf32, #tpu.memory_space<vmem>>
    %dma_start3A_179 = arith.constant 3192 : i32
    %dma_start3A_180 = tpu.memref_slice %arg8[%dma_start3A_179] : memref<15680xi32, #tpu.memory_space<vmem>> -> memref<56xi32, #tpu.memory_space<vmem>>
    %dma_start3A_181 = arith.constant 0 : i32
    %dma_start3A_182 = arith.constant 0 : i32
    %dma_start3A_183 = tpu.memref_slice %arg2[%dma_start3A_181, %dma_start3A_182] : memref<50000x128xf32, #tpu.memory_space<hbm>> -> memref<50000x128xf32, #tpu.memory_space<hbm>>
    tpu.enqueue_indirect_dma source(%dma_start3A_183 : memref<50000x128xf32, #tpu.memory_space<hbm>>) target(%dma_start3A_178 : memref<56x128xf32, #tpu.memory_space<vmem>>) offsets(%dma_start3A_180 : memref<56xi32, #tpu.memory_space<vmem>>) semaphore(%arg12 : memref<!tpu.dma_semaphore, #tpu.memory_space<semaphore_mem>>) {add = true}
    %dma_start3A_184 = arith.constant 1 : i32
    %dma_start3A_185 = arith.constant 0 : i32
    %dma_start3A_186 = arith.constant 0 : i32
    %dma_start3A_187 = tpu.memref_slice %arg10[%dma_start3A_184, %dma_start3A_185, %dma_start3A_186] : memref<2x56x128xf32, #tpu.memory_space<vmem>> -> memref<1x56x128xf32, #tpu.memory_space<vmem>>
    %dma_start3A_188 = tpu.memref_squeeze %dma_start3A_187 : memref<1x56x128xf32, #tpu.memory_space<vmem>> -> memref<56x128xf32, #tpu.memory_space<vmem>>
    %dma_start3A_189 = arith.constant 4760 : i32
    %dma_start3A_190 = tpu.memref_slice %arg8[%dma_start3A_189] : memref<15680xi32, #tpu.memory_space<vmem>> -> memref<56xi32, #tpu.memory_space<vmem>>
    %dma_start3A_191 = arith.constant 0 : i32
    %dma_start3A_192 = arith.constant 0 : i32
    %dma_start3A_193 = tpu.memref_slice %arg2[%dma_start3A_191, %dma_start3A_192] : memref<50000x128xf32, #tpu.memory_space<hbm>> -> memref<50000x128xf32, #tpu.memory_space<hbm>>
    tpu.enqueue_indirect_dma source(%dma_start3A_193 : memref<50000x128xf32, #tpu.memory_space<hbm>>) target(%dma_start3A_188 : memref<56x128xf32, #tpu.memory_space<vmem>>) offsets(%dma_start3A_190 : memref<56xi32, #tpu.memory_space<vmem>>) semaphore(%arg12 : memref<!tpu.dma_semaphore, #tpu.memory_space<semaphore_mem>>) {add = true}
    %dma_start3A_194 = arith.constant 1 : i32
    %dma_start3A_195 = arith.constant 0 : i32
    %dma_start3A_196 = arith.constant 0 : i32
    %dma_start3A_197 = tpu.memref_slice %arg10[%dma_start3A_194, %dma_start3A_195, %dma_start3A_196] : memref<2x56x128xf32, #tpu.memory_space<vmem>> -> memref<1x56x128xf32, #tpu.memory_space<vmem>>
    %dma_start3A_198 = tpu.memref_squeeze %dma_start3A_197 : memref<1x56x128xf32, #tpu.memory_space<vmem>> -> memref<56x128xf32, #tpu.memory_space<vmem>>
    %dma_start3A_199 = arith.constant 6328 : i32
    %dma_start3A_200 = tpu.memref_slice %arg8[%dma_start3A_199] : memref<15680xi32, #tpu.memory_space<vmem>> -> memref<56xi32, #tpu.memory_space<vmem>>
    %dma_start3A_201 = arith.constant 0 : i32
    %dma_start3A_202 = arith.constant 0 : i32
    %dma_start3A_203 = tpu.memref_slice %arg2[%dma_start3A_201, %dma_start3A_202] : memref<50000x128xf32, #tpu.memory_space<hbm>> -> memref<50000x128xf32, #tpu.memory_space<hbm>>
    tpu.enqueue_indirect_dma source(%dma_start3A_203 : memref<50000x128xf32, #tpu.memory_space<hbm>>) target(%dma_start3A_198 : memref<56x128xf32, #tpu.memory_space<vmem>>) offsets(%dma_start3A_200 : memref<56xi32, #tpu.memory_space<vmem>>) semaphore(%arg12 : memref<!tpu.dma_semaphore, #tpu.memory_space<semaphore_mem>>) {add = true}
    %dma_start3A_204 = arith.constant 1 : i32
    %dma_start3A_205 = arith.constant 0 : i32
    %dma_start3A_206 = arith.constant 0 : i32
    %dma_start3A_207 = tpu.memref_slice %arg10[%dma_start3A_204, %dma_start3A_205, %dma_start3A_206] : memref<2x56x128xf32, #tpu.memory_space<vmem>> -> memref<1x56x128xf32, #tpu.memory_space<vmem>>
    %dma_start3A_208 = tpu.memref_squeeze %dma_start3A_207 : memref<1x56x128xf32, #tpu.memory_space<vmem>> -> memref<56x128xf32, #tpu.memory_space<vmem>>
    %dma_start3A_209 = arith.constant 7896 : i32
    %dma_start3A_210 = tpu.memref_slice %arg8[%dma_start3A_209] : memref<15680xi32, #tpu.memory_space<vmem>> -> memref<56xi32, #tpu.memory_space<vmem>>
    %dma_start3A_211 = arith.constant 0 : i32
    %dma_start3A_212 = arith.constant 0 : i32
    %dma_start3A_213 = tpu.memref_slice %arg2[%dma_start3A_211, %dma_start3A_212] : memref<50000x128xf32, #tpu.memory_space<hbm>> -> memref<50000x128xf32, #tpu.memory_space<hbm>>
    tpu.enqueue_indirect_dma source(%dma_start3A_213 : memref<50000x128xf32, #tpu.memory_space<hbm>>) target(%dma_start3A_208 : memref<56x128xf32, #tpu.memory_space<vmem>>) offsets(%dma_start3A_210 : memref<56xi32, #tpu.memory_space<vmem>>) semaphore(%arg12 : memref<!tpu.dma_semaphore, #tpu.memory_space<semaphore_mem>>) {add = true}
    %dma_start3A_214 = arith.constant 1 : i32
    %dma_start3A_215 = arith.constant 0 : i32
    %dma_start3A_216 = arith.constant 0 : i32
    %dma_start3A_217 = tpu.memref_slice %arg10[%dma_start3A_214, %dma_start3A_215, %dma_start3A_216] : memref<2x56x128xf32, #tpu.memory_space<vmem>> -> memref<1x56x128xf32, #tpu.memory_space<vmem>>
    %dma_start3A_218 = tpu.memref_squeeze %dma_start3A_217 : memref<1x56x128xf32, #tpu.memory_space<vmem>> -> memref<56x128xf32, #tpu.memory_space<vmem>>
    %dma_start3A_219 = arith.constant 9464 : i32
    %dma_start3A_220 = tpu.memref_slice %arg8[%dma_start3A_219] : memref<15680xi32, #tpu.memory_space<vmem>> -> memref<56xi32, #tpu.memory_space<vmem>>
    %dma_start3A_221 = arith.constant 0 : i32
    %dma_start3A_222 = arith.constant 0 : i32
    %dma_start3A_223 = tpu.memref_slice %arg2[%dma_start3A_221, %dma_start3A_222] : memref<50000x128xf32, #tpu.memory_space<hbm>> -> memref<50000x128xf32, #tpu.memory_space<hbm>>
    tpu.enqueue_indirect_dma source(%dma_start3A_223 : memref<50000x128xf32, #tpu.memory_space<hbm>>) target(%dma_start3A_218 : memref<56x128xf32, #tpu.memory_space<vmem>>) offsets(%dma_start3A_220 : memref<56xi32, #tpu.memory_space<vmem>>) semaphore(%arg12 : memref<!tpu.dma_semaphore, #tpu.memory_space<semaphore_mem>>) {add = true}
    %dma_start3A_224 = arith.constant 1 : i32
    %dma_start3A_225 = arith.constant 0 : i32
    %dma_start3A_226 = arith.constant 0 : i32
    %dma_start3A_227 = tpu.memref_slice %arg10[%dma_start3A_224, %dma_start3A_225, %dma_start3A_226] : memref<2x56x128xf32, #tpu.memory_space<vmem>> -> memref<1x56x128xf32, #tpu.memory_space<vmem>>
    %dma_start3A_228 = tpu.memref_squeeze %dma_start3A_227 : memref<1x56x128xf32, #tpu.memory_space<vmem>> -> memref<56x128xf32, #tpu.memory_space<vmem>>
    %dma_start3A_229 = arith.constant 11032 : i32
    %dma_start3A_230 = tpu.memref_slice %arg8[%dma_start3A_229] : memref<15680xi32, #tpu.memory_space<vmem>> -> memref<56xi32, #tpu.memory_space<vmem>>
    %dma_start3A_231 = arith.constant 0 : i32
    %dma_start3A_232 = arith.constant 0 : i32
    %dma_start3A_233 = tpu.memref_slice %arg2[%dma_start3A_231, %dma_start3A_232] : memref<50000x128xf32, #tpu.memory_space<hbm>> -> memref<50000x128xf32, #tpu.memory_space<hbm>>
    tpu.enqueue_indirect_dma source(%dma_start3A_233 : memref<50000x128xf32, #tpu.memory_space<hbm>>) target(%dma_start3A_228 : memref<56x128xf32, #tpu.memory_space<vmem>>) offsets(%dma_start3A_230 : memref<56xi32, #tpu.memory_space<vmem>>) semaphore(%arg12 : memref<!tpu.dma_semaphore, #tpu.memory_space<semaphore_mem>>) {add = true}
    %dma_start3A_234 = arith.constant 1 : i32
    %dma_start3A_235 = arith.constant 0 : i32
    %dma_start3A_236 = arith.constant 0 : i32
    %dma_start3A_237 = tpu.memref_slice %arg10[%dma_start3A_234, %dma_start3A_235, %dma_start3A_236] : memref<2x56x128xf32, #tpu.memory_space<vmem>> -> memref<1x56x128xf32, #tpu.memory_space<vmem>>
    %dma_start3A_238 = tpu.memref_squeeze %dma_start3A_237 : memref<1x56x128xf32, #tpu.memory_space<vmem>> -> memref<56x128xf32, #tpu.memory_space<vmem>>
    %dma_start3A_239 = arith.constant 12600 : i32
    %dma_start3A_240 = tpu.memref_slice %arg8[%dma_start3A_239] : memref<15680xi32, #tpu.memory_space<vmem>> -> memref<56xi32, #tpu.memory_space<vmem>>
    %dma_start3A_241 = arith.constant 0 : i32
    %dma_start3A_242 = arith.constant 0 : i32
    %dma_start3A_243 = tpu.memref_slice %arg2[%dma_start3A_241, %dma_start3A_242] : memref<50000x128xf32, #tpu.memory_space<hbm>> -> memref<50000x128xf32, #tpu.memory_space<hbm>>
    tpu.enqueue_indirect_dma source(%dma_start3A_243 : memref<50000x128xf32, #tpu.memory_space<hbm>>) target(%dma_start3A_238 : memref<56x128xf32, #tpu.memory_space<vmem>>) offsets(%dma_start3A_240 : memref<56xi32, #tpu.memory_space<vmem>>) semaphore(%arg12 : memref<!tpu.dma_semaphore, #tpu.memory_space<semaphore_mem>>) {add = true}
    %dma_start3A_244 = arith.constant 1 : i32
    %dma_start3A_245 = arith.constant 0 : i32
    %dma_start3A_246 = arith.constant 0 : i32
    %dma_start3A_247 = tpu.memref_slice %arg10[%dma_start3A_244, %dma_start3A_245, %dma_start3A_246] : memref<2x56x128xf32, #tpu.memory_space<vmem>> -> memref<1x56x128xf32, #tpu.memory_space<vmem>>
    %dma_start3A_248 = tpu.memref_squeeze %dma_start3A_247 : memref<1x56x128xf32, #tpu.memory_space<vmem>> -> memref<56x128xf32, #tpu.memory_space<vmem>>
    %dma_start3A_249 = arith.constant 14168 : i32
    %dma_start3A_250 = tpu.memref_slice %arg8[%dma_start3A_249] : memref<15680xi32, #tpu.memory_space<vmem>> -> memref<56xi32, #tpu.memory_space<vmem>>
    %dma_start3A_251 = arith.constant 0 : i32
    %dma_start3A_252 = arith.constant 0 : i32
    %dma_start3A_253 = tpu.memref_slice %arg2[%dma_start3A_251, %dma_start3A_252] : memref<50000x128xf32, #tpu.memory_space<hbm>> -> memref<50000x128xf32, #tpu.memory_space<hbm>>
    tpu.enqueue_indirect_dma source(%dma_start3A_253 : memref<50000x128xf32, #tpu.memory_space<hbm>>) target(%dma_start3A_248 : memref<56x128xf32, #tpu.memory_space<vmem>>) offsets(%dma_start3A_250 : memref<56xi32, #tpu.memory_space<vmem>>) semaphore(%arg12 : memref<!tpu.dma_semaphore, #tpu.memory_space<semaphore_mem>>) {add = true}
    %scan3A_254 = arith.constant 0 : i32
    %scan3A_255 = arith.constant 0 : i32
    %scan3A_256 = arith.constant 14 : i32
    %scan3A_257 = arith.addi %scan3A_255, %scan3A_256 : i32
    %scan3A_258 = arith.constant 1 : i32
    scf.for %scan3A_311 = %scan3A_255 to %scan3A_257 step %scan3A_258  : i32 {
      %mul3A_312 = arith.constant 2 : i32
      %mul3A_313 = arith.muli %mul3A_312, %scan3A_311 : i32
      %add3A_314 = arith.constant 0 : i32
      %add3A_315 = arith.addi %mul3A_313, %add3A_314 : i32
      %mul3A_316 = arith.constant 56 : i32
      %mul3A_317 = arith.muli %add3A_315, %mul3A_316 : i32
      %dma_wait3A_318 = arith.constant 0 : i32
      %dma_wait3A_319 = arith.constant 0 : i32
      %dma_wait3A_320 = arith.constant 0 : i32
      %dma_wait3A_321 = tpu.memref_slice %arg9[%dma_wait3A_318, %dma_wait3A_319, %dma_wait3A_320] : memref<2x56x128xf32, #tpu.memory_space<vmem>> -> memref<1x56x128xf32, #tpu.memory_space<vmem>>
      %dma_wait3A_322 = tpu.memref_squeeze %dma_wait3A_321 : memref<1x56x128xf32, #tpu.memory_space<vmem>> -> memref<56x128xf32, #tpu.memory_space<vmem>>
      %dma_wait3A_323 = tpu.memref_slice %arg7[%mul3A_317] : memref<1568xi32, #tpu.memory_space<vmem>> -> memref<56xi32, #tpu.memory_space<vmem>>
      %dma_wait3A_324 = arith.constant 0 : i32
      %dma_wait3A_325 = arith.constant 0 : i32
      %dma_wait3A_326 = tpu.memref_slice %arg2[%dma_wait3A_324, %dma_wait3A_325] : memref<50000x128xf32, #tpu.memory_space<hbm>> -> memref<50000x128xf32, #tpu.memory_space<hbm>>
      tpu.wait_indirect_dma semaphore(%arg11 : memref<!tpu.dma_semaphore, #tpu.memory_space<semaphore_mem>>) src(%dma_wait3A_326 : memref<50000x128xf32, #tpu.memory_space<hbm>>) dst(%dma_wait3A_322 : memref<56x128xf32, #tpu.memory_space<vmem>>)
      %add3A_327 = arith.constant 0 : i32
      %add3A_328 = arith.addi %add3A_327, %mul3A_317 : i32
      %dma_wait3A_329 = arith.constant 0 : i32
      %dma_wait3A_330 = arith.constant 0 : i32
      %dma_wait3A_331 = arith.constant 0 : i32
      %dma_wait3A_332 = tpu.memref_slice %arg10[%dma_wait3A_329, %dma_wait3A_330, %dma_wait3A_331] : memref<2x56x128xf32, #tpu.memory_space<vmem>> -> memref<1x56x128xf32, #tpu.memory_space<vmem>>
      %dma_wait3A_333 = tpu.memref_squeeze %dma_wait3A_332 : memref<1x56x128xf32, #tpu.memory_space<vmem>> -> memref<56x128xf32, #tpu.memory_space<vmem>>
      %dma_wait3A_334 = tpu.memref_slice %arg8[%add3A_328] : memref<15680xi32, #tpu.memory_space<vmem>> -> memref<56xi32, #tpu.memory_space<vmem>>
      %dma_wait3A_335 = arith.constant 0 : i32
      %dma_wait3A_336 = arith.constant 0 : i32
      %dma_wait3A_337 = tpu.memref_slice %arg2[%dma_wait3A_335, %dma_wait3A_336] : memref<50000x128xf32, #tpu.memory_space<hbm>> -> memref<50000x128xf32, #tpu.memory_space<hbm>>
      tpu.wait_indirect_dma semaphore(%arg11 : memref<!tpu.dma_semaphore, #tpu.memory_space<semaphore_mem>>) src(%dma_wait3A_337 : memref<50000x128xf32, #tpu.memory_space<hbm>>) dst(%dma_wait3A_333 : memref<56x128xf32, #tpu.memory_space<vmem>>)
      %add3A_338 = arith.constant 1568 : i32
      %add3A_339 = arith.addi %add3A_338, %mul3A_317 : i32
      %dma_wait3A_340 = arith.constant 0 : i32
      %dma_wait3A_341 = arith.constant 0 : i32
      %dma_wait3A_342 = arith.constant 0 : i32
      %dma_wait3A_343 = tpu.memref_slice %arg10[%dma_wait3A_340, %dma_wait3A_341, %dma_wait3A_342] : memref<2x56x128xf32, #tpu.memory_space<vmem>> -> memref<1x56x128xf32, #tpu.memory_space<vmem>>
      %dma_wait3A_344 = tpu.memref_squeeze %dma_wait3A_343 : memref<1x56x128xf32, #tpu.memory_space<vmem>> -> memref<56x128xf32, #tpu.memory_space<vmem>>
      %dma_wait3A_345 = tpu.memref_slice %arg8[%add3A_339] : memref<15680xi32, #tpu.memory_space<vmem>> -> memref<56xi32, #tpu.memory_space<vmem>>
      %dma_wait3A_346 = arith.constant 0 : i32
      %dma_wait3A_347 = arith.constant 0 : i32
      %dma_wait3A_348 = tpu.memref_slice %arg2[%dma_wait3A_346, %dma_wait3A_347] : memref<50000x128xf32, #tpu.memory_space<hbm>> -> memref<50000x128xf32, #tpu.memory_space<hbm>>
      tpu.wait_indirect_dma semaphore(%arg11 : memref<!tpu.dma_semaphore, #tpu.memory_space<semaphore_mem>>) src(%dma_wait3A_348 : memref<50000x128xf32, #tpu.memory_space<hbm>>) dst(%dma_wait3A_344 : memref<56x128xf32, #tpu.memory_space<vmem>>)
      %add3A_349 = arith.constant 3136 : i32
      %add3A_350 = arith.addi %add3A_349, %mul3A_317 : i32
      %dma_wait3A_351 = arith.constant 0 : i32
      %dma_wait3A_352 = arith.constant 0 : i32
      %dma_wait3A_353 = arith.constant 0 : i32
      %dma_wait3A_354 = tpu.memref_slice %arg10[%dma_wait3A_351, %dma_wait3A_352, %dma_wait3A_353] : memref<2x56x128xf32, #tpu.memory_space<vmem>> -> memref<1x56x128xf32, #tpu.memory_space<vmem>>
      %dma_wait3A_355 = tpu.memref_squeeze %dma_wait3A_354 : memref<1x56x128xf32, #tpu.memory_space<vmem>> -> memref<56x128xf32, #tpu.memory_space<vmem>>
      %dma_wait3A_356 = tpu.memref_slice %arg8[%add3A_350] : memref<15680xi32, #tpu.memory_space<vmem>> -> memref<56xi32, #tpu.memory_space<vmem>>
      %dma_wait3A_357 = arith.constant 0 : i32
      %dma_wait3A_358 = arith.constant 0 : i32
      %dma_wait3A_359 = tpu.memref_slice %arg2[%dma_wait3A_357, %dma_wait3A_358] : memref<50000x128xf32, #tpu.memory_space<hbm>> -> memref<50000x128xf32, #tpu.memory_space<hbm>>
      tpu.wait_indirect_dma semaphore(%arg11 : memref<!tpu.dma_semaphore, #tpu.memory_space<semaphore_mem>>) src(%dma_wait3A_359 : memref<50000x128xf32, #tpu.memory_space<hbm>>) dst(%dma_wait3A_355 : memref<56x128xf32, #tpu.memory_space<vmem>>)
      %add3A_360 = arith.constant 4704 : i32
      %add3A_361 = arith.addi %add3A_360, %mul3A_317 : i32
      %dma_wait3A_362 = arith.constant 0 : i32
      %dma_wait3A_363 = arith.constant 0 : i32
      %dma_wait3A_364 = arith.constant 0 : i32
      %dma_wait3A_365 = tpu.memref_slice %arg10[%dma_wait3A_362, %dma_wait3A_363, %dma_wait3A_364] : memref<2x56x128xf32, #tpu.memory_space<vmem>> -> memref<1x56x128xf32, #tpu.memory_space<vmem>>
      %dma_wait3A_366 = tpu.memref_squeeze %dma_wait3A_365 : memref<1x56x128xf32, #tpu.memory_space<vmem>> -> memref<56x128xf32, #tpu.memory_space<vmem>>
      %dma_wait3A_367 = tpu.memref_slice %arg8[%add3A_361] : memref<15680xi32, #tpu.memory_space<vmem>> -> memref<56xi32, #tpu.memory_space<vmem>>
      %dma_wait3A_368 = arith.constant 0 : i32
      %dma_wait3A_369 = arith.constant 0 : i32
      %dma_wait3A_370 = tpu.memref_slice %arg2[%dma_wait3A_368, %dma_wait3A_369] : memref<50000x128xf32, #tpu.memory_space<hbm>> -> memref<50000x128xf32, #tpu.memory_space<hbm>>
      tpu.wait_indirect_dma semaphore(%arg11 : memref<!tpu.dma_semaphore, #tpu.memory_space<semaphore_mem>>) src(%dma_wait3A_370 : memref<50000x128xf32, #tpu.memory_space<hbm>>) dst(%dma_wait3A_366 : memref<56x128xf32, #tpu.memory_space<vmem>>)
      %add3A_371 = arith.constant 6272 : i32
      %add3A_372 = arith.addi %add3A_371, %mul3A_317 : i32
      %dma_wait3A_373 = arith.constant 0 : i32
      %dma_wait3A_374 = arith.constant 0 : i32
      %dma_wait3A_375 = arith.constant 0 : i32
      %dma_wait3A_376 = tpu.memref_slice %arg10[%dma_wait3A_373, %dma_wait3A_374, %dma_wait3A_375] : memref<2x56x128xf32, #tpu.memory_space<vmem>> -> memref<1x56x128xf32, #tpu.memory_space<vmem>>
      %dma_wait3A_377 = tpu.memref_squeeze %dma_wait3A_376 : memref<1x56x128xf32, #tpu.memory_space<vmem>> -> memref<56x128xf32, #tpu.memory_space<vmem>>
      %dma_wait3A_378 = tpu.memref_slice %arg8[%add3A_372] : memref<15680xi32, #tpu.memory_space<vmem>> -> memref<56xi32, #tpu.memory_space<vmem>>
      %dma_wait3A_379 = arith.constant 0 : i32
      %dma_wait3A_380 = arith.constant 0 : i32
      %dma_wait3A_381 = tpu.memref_slice %arg2[%dma_wait3A_379, %dma_wait3A_380] : memref<50000x128xf32, #tpu.memory_space<hbm>> -> memref<50000x128xf32, #tpu.memory_space<hbm>>
      tpu.wait_indirect_dma semaphore(%arg11 : memref<!tpu.dma_semaphore, #tpu.memory_space<semaphore_mem>>) src(%dma_wait3A_381 : memref<50000x128xf32, #tpu.memory_space<hbm>>) dst(%dma_wait3A_377 : memref<56x128xf32, #tpu.memory_space<vmem>>)
      %add3A_382 = arith.constant 7840 : i32
      %add3A_383 = arith.addi %add3A_382, %mul3A_317 : i32
      %dma_wait3A_384 = arith.constant 0 : i32
      %dma_wait3A_385 = arith.constant 0 : i32
      %dma_wait3A_386 = arith.constant 0 : i32
      %dma_wait3A_387 = tpu.memref_slice %arg10[%dma_wait3A_384, %dma_wait3A_385, %dma_wait3A_386] : memref<2x56x128xf32, #tpu.memory_space<vmem>> -> memref<1x56x128xf32, #tpu.memory_space<vmem>>
      %dma_wait3A_388 = tpu.memref_squeeze %dma_wait3A_387 : memref<1x56x128xf32, #tpu.memory_space<vmem>> -> memref<56x128xf32, #tpu.memory_space<vmem>>
      %dma_wait3A_389 = tpu.memref_slice %arg8[%add3A_383] : memref<15680xi32, #tpu.memory_space<vmem>> -> memref<56xi32, #tpu.memory_space<vmem>>
      %dma_wait3A_390 = arith.constant 0 : i32
      %dma_wait3A_391 = arith.constant 0 : i32
      %dma_wait3A_392 = tpu.memref_slice %arg2[%dma_wait3A_390, %dma_wait3A_391] : memref<50000x128xf32, #tpu.memory_space<hbm>> -> memref<50000x128xf32, #tpu.memory_space<hbm>>
      tpu.wait_indirect_dma semaphore(%arg11 : memref<!tpu.dma_semaphore, #tpu.memory_space<semaphore_mem>>) src(%dma_wait3A_392 : memref<50000x128xf32, #tpu.memory_space<hbm>>) dst(%dma_wait3A_388 : memref<56x128xf32, #tpu.memory_space<vmem>>)
      %add3A_393 = arith.constant 9408 : i32
      %add3A_394 = arith.addi %add3A_393, %mul3A_317 : i32
      %dma_wait3A_395 = arith.constant 0 : i32
      %dma_wait3A_396 = arith.constant 0 : i32
      %dma_wait3A_397 = arith.constant 0 : i32
      %dma_wait3A_398 = tpu.memref_slice %arg10[%dma_wait3A_395, %dma_wait3A_396, %dma_wait3A_397] : memref<2x56x128xf32, #tpu.memory_space<vmem>> -> memref<1x56x128xf32, #tpu.memory_space<vmem>>
      %dma_wait3A_399 = tpu.memref_squeeze %dma_wait3A_398 : memref<1x56x128xf32, #tpu.memory_space<vmem>> -> memref<56x128xf32, #tpu.memory_space<vmem>>
      %dma_wait3A_400 = tpu.memref_slice %arg8[%add3A_394] : memref<15680xi32, #tpu.memory_space<vmem>> -> memref<56xi32, #tpu.memory_space<vmem>>
      %dma_wait3A_401 = arith.constant 0 : i32
      %dma_wait3A_402 = arith.constant 0 : i32
      %dma_wait3A_403 = tpu.memref_slice %arg2[%dma_wait3A_401, %dma_wait3A_402] : memref<50000x128xf32, #tpu.memory_space<hbm>> -> memref<50000x128xf32, #tpu.memory_space<hbm>>
      tpu.wait_indirect_dma semaphore(%arg11 : memref<!tpu.dma_semaphore, #tpu.memory_space<semaphore_mem>>) src(%dma_wait3A_403 : memref<50000x128xf32, #tpu.memory_space<hbm>>) dst(%dma_wait3A_399 : memref<56x128xf32, #tpu.memory_space<vmem>>)
      %add3A_404 = arith.constant 10976 : i32
      %add3A_405 = arith.addi %add3A_404, %mul3A_317 : i32
      %dma_wait3A_406 = arith.constant 0 : i32
      %dma_wait3A_407 = arith.constant 0 : i32
      %dma_wait3A_408 = arith.constant 0 : i32
      %dma_wait3A_409 = tpu.memref_slice %arg10[%dma_wait3A_406, %dma_wait3A_407, %dma_wait3A_408] : memref<2x56x128xf32, #tpu.memory_space<vmem>> -> memref<1x56x128xf32, #tpu.memory_space<vmem>>
      %dma_wait3A_410 = tpu.memref_squeeze %dma_wait3A_409 : memref<1x56x128xf32, #tpu.memory_space<vmem>> -> memref<56x128xf32, #tpu.memory_space<vmem>>
      %dma_wait3A_411 = tpu.memref_slice %arg8[%add3A_405] : memref<15680xi32, #tpu.memory_space<vmem>> -> memref<56xi32, #tpu.memory_space<vmem>>
      %dma_wait3A_412 = arith.constant 0 : i32
      %dma_wait3A_413 = arith.constant 0 : i32
      %dma_wait3A_414 = tpu.memref_slice %arg2[%dma_wait3A_412, %dma_wait3A_413] : memref<50000x128xf32, #tpu.memory_space<hbm>> -> memref<50000x128xf32, #tpu.memory_space<hbm>>
      tpu.wait_indirect_dma semaphore(%arg11 : memref<!tpu.dma_semaphore, #tpu.memory_space<semaphore_mem>>) src(%dma_wait3A_414 : memref<50000x128xf32, #tpu.memory_space<hbm>>) dst(%dma_wait3A_410 : memref<56x128xf32, #tpu.memory_space<vmem>>)
      %add3A_415 = arith.constant 12544 : i32
      %add3A_416 = arith.addi %add3A_415, %mul3A_317 : i32
      %dma_wait3A_417 = arith.constant 0 : i32
      %dma_wait3A_418 = arith.constant 0 : i32
      %dma_wait3A_419 = arith.constant 0 : i32
      %dma_wait3A_420 = tpu.memref_slice %arg10[%dma_wait3A_417, %dma_wait3A_418, %dma_wait3A_419] : memref<2x56x128xf32, #tpu.memory_space<vmem>> -> memref<1x56x128xf32, #tpu.memory_space<vmem>>
      %dma_wait3A_421 = tpu.memref_squeeze %dma_wait3A_420 : memref<1x56x128xf32, #tpu.memory_space<vmem>> -> memref<56x128xf32, #tpu.memory_space<vmem>>
      %dma_wait3A_422 = tpu.memref_slice %arg8[%add3A_416] : memref<15680xi32, #tpu.memory_space<vmem>> -> memref<56xi32, #tpu.memory_space<vmem>>
      %dma_wait3A_423 = arith.constant 0 : i32
      %dma_wait3A_424 = arith.constant 0 : i32
      %dma_wait3A_425 = tpu.memref_slice %arg2[%dma_wait3A_423, %dma_wait3A_424] : memref<50000x128xf32, #tpu.memory_space<hbm>> -> memref<50000x128xf32, #tpu.memory_space<hbm>>
      tpu.wait_indirect_dma semaphore(%arg11 : memref<!tpu.dma_semaphore, #tpu.memory_space<semaphore_mem>>) src(%dma_wait3A_425 : memref<50000x128xf32, #tpu.memory_space<hbm>>) dst(%dma_wait3A_421 : memref<56x128xf32, #tpu.memory_space<vmem>>)
      %add3A_426 = arith.constant 14112 : i32
      %add3A_427 = arith.addi %add3A_426, %mul3A_317 : i32
      %dma_wait3A_428 = arith.constant 0 : i32
      %dma_wait3A_429 = arith.constant 0 : i32
      %dma_wait3A_430 = arith.constant 0 : i32
      %dma_wait3A_431 = tpu.memref_slice %arg10[%dma_wait3A_428, %dma_wait3A_429, %dma_wait3A_430] : memref<2x56x128xf32, #tpu.memory_space<vmem>> -> memref<1x56x128xf32, #tpu.memory_space<vmem>>
      %dma_wait3A_432 = tpu.memref_squeeze %dma_wait3A_431 : memref<1x56x128xf32, #tpu.memory_space<vmem>> -> memref<56x128xf32, #tpu.memory_space<vmem>>
      %dma_wait3A_433 = tpu.memref_slice %arg8[%add3A_427] : memref<15680xi32, #tpu.memory_space<vmem>> -> memref<56xi32, #tpu.memory_space<vmem>>
      %dma_wait3A_434 = arith.constant 0 : i32
      %dma_wait3A_435 = arith.constant 0 : i32
      %dma_wait3A_436 = tpu.memref_slice %arg2[%dma_wait3A_434, %dma_wait3A_435] : memref<50000x128xf32, #tpu.memory_space<hbm>> -> memref<50000x128xf32, #tpu.memory_space<hbm>>
      tpu.wait_indirect_dma semaphore(%arg11 : memref<!tpu.dma_semaphore, #tpu.memory_space<semaphore_mem>>) src(%dma_wait3A_436 : memref<50000x128xf32, #tpu.memory_space<hbm>>) dst(%dma_wait3A_432 : memref<56x128xf32, #tpu.memory_space<vmem>>)
      %mul3A_437 = arith.constant 56 : i32
      %mul3A_438 = arith.muli %add3A_315, %mul3A_437 : i32
      %add3A_439 = arith.addi %mul3A_2, %mul3A_438 : i32
      %dma_start3A_440 = arith.constant 0 : i32
      %dma_start3A_441 = arith.constant 0 : i32
      %dma_start3A_442 = arith.constant 0 : i32
      %dma_start3A_443 = tpu.memref_slice %arg9[%dma_start3A_440, %dma_start3A_441, %dma_start3A_442] : memref<2x56x128xf32, #tpu.memory_space<vmem>> -> memref<1x56x128xf32, #tpu.memory_space<vmem>>
      %dma_start3A_444 = tpu.memref_squeeze %dma_start3A_443 : memref<1x56x128xf32, #tpu.memory_space<vmem>> -> memref<56x128xf32, #tpu.memory_space<vmem>>
      %dma_start3A_445 = arith.constant 0 : i32
      %dma_start3A_446 = tpu.memref_slice %arg5[%add3A_439, %dma_start3A_445] : memref<50176x128xf32, #tpu.memory_space<hbm>> -> memref<56x128xf32, #tpu.memory_space<hbm>>
      %dma_start3A_447 = arith.constant 0 : i32
      %dma_start3A_448 = tpu.memref_slice %arg5[%add3A_439, %dma_start3A_447] : memref<50176x128xf32, #tpu.memory_space<hbm>> -> memref<56x128xf32, #tpu.memory_space<hbm>>
      %dma_start3A_449 = arith.constant 0 : i32
      %dma_start3A_450 = arith.constant 0 : i32
      %dma_start3A_451 = tpu.memref_slice %arg9[%dma_start3A_440, %dma_start3A_449, %dma_start3A_450] : memref<2x56x128xf32, #tpu.memory_space<vmem>> -> memref<1x56x128xf32, #tpu.memory_space<vmem>>
      %dma_start3A_452 = tpu.memref_squeeze %dma_start3A_451 : memref<1x56x128xf32, #tpu.memory_space<vmem>> -> memref<56x128xf32, #tpu.memory_space<vmem>>
      tpu.enqueue_dma source(%dma_start3A_452 : memref<56x128xf32, #tpu.memory_space<vmem>>) target(%dma_start3A_448 : memref<56x128xf32, #tpu.memory_space<hbm>>) target_semaphore(%arg13 : memref<!tpu.dma_semaphore, #tpu.memory_space<semaphore_mem>>)
      %dma_start3A_453 = arith.constant 0 : i32
      %dma_start3A_454 = arith.constant 0 : i32
      %dma_start3A_455 = arith.constant 0 : i32
      %dma_start3A_456 = tpu.memref_slice %arg10[%dma_start3A_453, %dma_start3A_454, %dma_start3A_455] : memref<2x56x128xf32, #tpu.memory_space<vmem>> -> memref<1x56x128xf32, #tpu.memory_space<vmem>>
      %dma_start3A_457 = tpu.memref_squeeze %dma_start3A_456 : memref<1x56x128xf32, #tpu.memory_space<vmem>> -> memref<56x128xf32, #tpu.memory_space<vmem>>
      %dma_start3A_458 = arith.constant 0 : i32
      %dma_start3A_459 = tpu.memref_slice %arg6[%add3A_439, %dma_start3A_458] : memref<50176x128xf32, #tpu.memory_space<hbm>> -> memref<56x128xf32, #tpu.memory_space<hbm>>
      %dma_start3A_460 = arith.constant 0 : i32
      %dma_start3A_461 = tpu.memref_slice %arg6[%add3A_439, %dma_start3A_460] : memref<50176x128xf32, #tpu.memory_space<hbm>> -> memref<56x128xf32, #tpu.memory_space<hbm>>
      %dma_start3A_462 = arith.constant 0 : i32
      %dma_start3A_463 = arith.constant 0 : i32
      %dma_start3A_464 = tpu.memref_slice %arg10[%dma_start3A_453, %dma_start3A_462, %dma_start3A_463] : memref<2x56x128xf32, #tpu.memory_space<vmem>> -> memref<1x56x128xf32, #tpu.memory_space<vmem>>
      %dma_start3A_465 = tpu.memref_squeeze %dma_start3A_464 : memref<1x56x128xf32, #tpu.memory_space<vmem>> -> memref<56x128xf32, #tpu.memory_space<vmem>>
      tpu.enqueue_dma source(%dma_start3A_465 : memref<56x128xf32, #tpu.memory_space<vmem>>) target(%dma_start3A_461 : memref<56x128xf32, #tpu.memory_space<hbm>>) target_semaphore(%arg13 : memref<!tpu.dma_semaphore, #tpu.memory_space<semaphore_mem>>)
      %lt3A = arith.constant 13 : i32
      %lt3A_466 = arith.cmpi slt, %scan3A_311, %lt3A : i32
      %convert_element_type3A = arith.extui %lt3A_466 : i1 to i32
      %cond3A = arith.constant 0 : i32
      %cond3A_467 = arith.cmpi ne, %convert_element_type3A, %cond3A : i32
      scf.if %cond3A_467 {
        %dma_wait3A_627 = arith.constant 0 : i32
        %dma_wait3A_628 = arith.constant 0 : i32
        %dma_wait3A_629 = arith.constant 0 : i32
        %dma_wait3A_630 = tpu.memref_slice %arg9[%dma_wait3A_627, %dma_wait3A_628, %dma_wait3A_629] : memref<2x56x128xf32, #tpu.memory_space<vmem>> -> memref<1x56x128xf32, #tpu.memory_space<vmem>>
        %dma_wait3A_631 = tpu.memref_squeeze %dma_wait3A_630 : memref<1x56x128xf32, #tpu.memory_space<vmem>> -> memref<56x128xf32, #tpu.memory_space<vmem>>
        %dma_wait3A_632 = arith.constant 0 : i32
        %dma_wait3A_633 = tpu.memref_slice %arg5[%mul3A_2, %dma_wait3A_632] : memref<50176x128xf32, #tpu.memory_space<hbm>> -> memref<56x128xf32, #tpu.memory_space<hbm>>
        %dma_wait3A_634 = arith.constant 0 : i32
        %dma_wait3A_635 = tpu.memref_slice %arg5[%mul3A_2, %dma_wait3A_634] : memref<50176x128xf32, #tpu.memory_space<hbm>> -> memref<56x128xf32, #tpu.memory_space<hbm>>
        %dma_wait3A_636 = arith.constant 0 : i32
        %dma_wait3A_637 = arith.constant 0 : i32
        %dma_wait3A_638 = tpu.memref_slice %arg9[%dma_wait3A_627, %dma_wait3A_636, %dma_wait3A_637] : memref<2x56x128xf32, #tpu.memory_space<vmem>> -> memref<1x56x128xf32, #tpu.memory_space<vmem>>
        %dma_wait3A_639 = tpu.memref_squeeze %dma_wait3A_638 : memref<1x56x128xf32, #tpu.memory_space<vmem>> -> memref<56x128xf32, #tpu.memory_space<vmem>>
        tpu.wait_dma2 semaphore(%arg13 : memref<!tpu.dma_semaphore, #tpu.memory_space<semaphore_mem>>) src(%dma_wait3A_639 : memref<56x128xf32, #tpu.memory_space<vmem>>) dst(%dma_wait3A_635 : memref<56x128xf32, #tpu.memory_space<hbm>>)
        %dma_wait3A_640 = arith.constant 0 : i32
        %dma_wait3A_641 = arith.constant 0 : i32
        %dma_wait3A_642 = arith.constant 0 : i32
        %dma_wait3A_643 = tpu.memref_slice %arg10[%dma_wait3A_640, %dma_wait3A_641, %dma_wait3A_642] : memref<2x56x128xf32, #tpu.memory_space<vmem>> -> memref<1x56x128xf32, #tpu.memory_space<vmem>>
        %dma_wait3A_644 = tpu.memref_squeeze %dma_wait3A_643 : memref<1x56x128xf32, #tpu.memory_space<vmem>> -> memref<56x128xf32, #tpu.memory_space<vmem>>
        %dma_wait3A_645 = arith.constant 0 : i32
        %dma_wait3A_646 = tpu.memref_slice %arg6[%mul3A_2, %dma_wait3A_645] : memref<50176x128xf32, #tpu.memory_space<hbm>> -> memref<56x128xf32, #tpu.memory_space<hbm>>
        %dma_wait3A_647 = arith.constant 0 : i32
        %dma_wait3A_648 = tpu.memref_slice %arg6[%mul3A_2, %dma_wait3A_647] : memref<50176x128xf32, #tpu.memory_space<hbm>> -> memref<56x128xf32, #tpu.memory_space<hbm>>
        %dma_wait3A_649 = arith.constant 0 : i32
        %dma_wait3A_650 = arith.constant 0 : i32
        %dma_wait3A_651 = tpu.memref_slice %arg10[%dma_wait3A_640, %dma_wait3A_649, %dma_wait3A_650] : memref<2x56x128xf32, #tpu.memory_space<vmem>> -> memref<1x56x128xf32, #tpu.memory_space<vmem>>
        %dma_wait3A_652 = tpu.memref_squeeze %dma_wait3A_651 : memref<1x56x128xf32, #tpu.memory_space<vmem>> -> memref<56x128xf32, #tpu.memory_space<vmem>>
        tpu.wait_dma2 semaphore(%arg13 : memref<!tpu.dma_semaphore, #tpu.memory_space<semaphore_mem>>) src(%dma_wait3A_652 : memref<56x128xf32, #tpu.memory_space<vmem>>) dst(%dma_wait3A_648 : memref<56x128xf32, #tpu.memory_space<hbm>>)
        %scan3A_653 = arith.constant 0 : i32
        %scan3A_654 = arith.constant 0 : i32
        %scan3A_655 = arith.constant 56 : i32
        %scan3A_656 = arith.addi %scan3A_654, %scan3A_655 : i32
        %scan3A_657 = arith.constant 1 : i32
        scf.for %scan3A_782 = %scan3A_654 to %scan3A_656 step %scan3A_657  : i32 {
          %swap3A = arith.constant 0 : i32
          %swap3A_783 = arith.index_cast %swap3A : i32 to index
          %swap3A_784 = arith.index_cast %scan3A_782 : i32 to index
          %swap3A_785 = arith.constant 0 : index
          %swap3A_786 = tpu.vector_load %arg10[%swap3A_783, %swap3A_784, %swap3A_785] {strides = array<i32>} : memref<2x56x128xf32, #tpu.memory_space<vmem>>, vector<1x1x16xf32>,
          %swap3A_787 = vector.shape_cast %swap3A_786 : vector<1x1x16xf32> to vector<16xf32>
          %swap3A_788 = vector.shape_cast %broadcast_in_dim3A_23 : vector<16xf32> to vector<1x1x16xf32>
          tpu.vector_store %arg10[%swap3A_783, %swap3A_784, %swap3A_785], %swap3A_788 {strides = array<i32>} : memref<2x56x128xf32, #tpu.memory_space<vmem>>, vector<1x1x16xf32>,
          %swap3A_789 = arith.constant 0 : i32
          %swap3A_790 = arith.index_cast %swap3A_789 : i32 to index
          %swap3A_791 = arith.index_cast %scan3A_782 : i32 to index
          %swap3A_792 = arith.constant 16 : index
          %swap3A_793 = tpu.vector_load %arg10[%swap3A_790, %swap3A_791, %swap3A_792] {strides = array<i32>} : memref<2x56x128xf32, #tpu.memory_space<vmem>>, vector<1x1x16xf32>,
          %swap3A_794 = vector.shape_cast %swap3A_793 : vector<1x1x16xf32> to vector<16xf32>
          %swap3A_795 = vector.shape_cast %broadcast_in_dim3A_23 : vector<16xf32> to vector<1x1x16xf32>
          tpu.vector_store %arg10[%swap3A_790, %swap3A_791, %swap3A_792], %swap3A_795 {strides = array<i32>} : memref<2x56x128xf32, #tpu.memory_space<vmem>>, vector<1x1x16xf32>,
          %swap3A_796 = arith.constant 0 : i32
          %swap3A_797 = arith.index_cast %swap3A_796 : i32 to index
          %swap3A_798 = arith.index_cast %scan3A_782 : i32 to index
          %swap3A_799 = arith.constant 32 : index
          %swap3A_800 = tpu.vector_load %arg10[%swap3A_797, %swap3A_798, %swap3A_799] {strides = array<i32>} : memref<2x56x128xf32, #tpu.memory_space<vmem>>, vector<1x1x16xf32>,
          %swap3A_801 = vector.shape_cast %swap3A_800 : vector<1x1x16xf32> to vector<16xf32>
          %swap3A_802 = vector.shape_cast %broadcast_in_dim3A_23 : vector<16xf32> to vector<1x1x16xf32>
          tpu.vector_store %arg10[%swap3A_797, %swap3A_798, %swap3A_799], %swap3A_802 {strides = array<i32>} : memref<2x56x128xf32, #tpu.memory_space<vmem>>, vector<1x1x16xf32>,
          %swap3A_803 = arith.constant 0 : i32
          %swap3A_804 = arith.index_cast %swap3A_803 : i32 to index
          %swap3A_805 = arith.index_cast %scan3A_782 : i32 to index
          %swap3A_806 = arith.constant 48 : index
          %swap3A_807 = tpu.vector_load %arg10[%swap3A_804, %swap3A_805, %swap3A_806] {strides = array<i32>} : memref<2x56x128xf32, #tpu.memory_space<vmem>>, vector<1x1x16xf32>,
          %swap3A_808 = vector.shape_cast %swap3A_807 : vector<1x1x16xf32> to vector<16xf32>
          %swap3A_809 = vector.shape_cast %broadcast_in_dim3A_23 : vector<16xf32> to vector<1x1x16xf32>
          tpu.vector_store %arg10[%swap3A_804, %swap3A_805, %swap3A_806], %swap3A_809 {strides = array<i32>} : memref<2x56x128xf32, #tpu.memory_space<vmem>>, vector<1x1x16xf32>,
          %swap3A_810 = arith.constant 0 : i32
          %swap3A_811 = arith.index_cast %swap3A_810 : i32 to index
          %swap3A_812 = arith.index_cast %scan3A_782 : i32 to index
          %swap3A_813 = arith.constant 64 : index
          %swap3A_814 = tpu.vector_load %arg10[%swap3A_811, %swap3A_812, %swap3A_813] {strides = array<i32>} : memref<2x56x128xf32, #tpu.memory_space<vmem>>, vector<1x1x16xf32>,
          %swap3A_815 = vector.shape_cast %swap3A_814 : vector<1x1x16xf32> to vector<16xf32>
          %swap3A_816 = vector.shape_cast %broadcast_in_dim3A_23 : vector<16xf32> to vector<1x1x16xf32>
          tpu.vector_store %arg10[%swap3A_811, %swap3A_812, %swap3A_813], %swap3A_816 {strides = array<i32>} : memref<2x56x128xf32, #tpu.memory_space<vmem>>, vector<1x1x16xf32>,
          %swap3A_817 = arith.constant 0 : i32
          %swap3A_818 = arith.index_cast %swap3A_817 : i32 to index
          %swap3A_819 = arith.index_cast %scan3A_782 : i32 to index
          %swap3A_820 = arith.constant 80 : index
          %swap3A_821 = tpu.vector_load %arg10[%swap3A_818, %swap3A_819, %swap3A_820] {strides = array<i32>} : memref<2x56x128xf32, #tpu.memory_space<vmem>>, vector<1x1x16xf32>,
          %swap3A_822 = vector.shape_cast %swap3A_821 : vector<1x1x16xf32> to vector<16xf32>
          %swap3A_823 = vector.shape_cast %broadcast_in_dim3A_23 : vector<16xf32> to vector<1x1x16xf32>
          tpu.vector_store %arg10[%swap3A_818, %swap3A_819, %swap3A_820], %swap3A_823 {strides = array<i32>} : memref<2x56x128xf32, #tpu.memory_space<vmem>>, vector<1x1x16xf32>,
          %swap3A_824 = arith.constant 0 : i32
          %swap3A_825 = arith.index_cast %swap3A_824 : i32 to index
          %swap3A_826 = arith.index_cast %scan3A_782 : i32 to index
          %swap3A_827 = arith.constant 96 : index
          %swap3A_828 = tpu.vector_load %arg10[%swap3A_825, %swap3A_826, %swap3A_827] {strides = array<i32>} : memref<2x56x128xf32, #tpu.memory_space<vmem>>, vector<1x1x16xf32>,
          %swap3A_829 = vector.shape_cast %swap3A_828 : vector<1x1x16xf32> to vector<16xf32>
          %swap3A_830 = vector.shape_cast %broadcast_in_dim3A_23 : vector<16xf32> to vector<1x1x16xf32>
          tpu.vector_store %arg10[%swap3A_825, %swap3A_826, %swap3A_827], %swap3A_830 {strides = array<i32>} : memref<2x56x128xf32, #tpu.memory_space<vmem>>, vector<1x1x16xf32>,
          %swap3A_831 = arith.constant 0 : i32
          %swap3A_832 = arith.index_cast %swap3A_831 : i32 to index
          %swap3A_833 = arith.index_cast %scan3A_782 : i32 to index
          %swap3A_834 = arith.constant 112 : index
          %swap3A_835 = tpu.vector_load %arg10[%swap3A_832, %swap3A_833, %swap3A_834] {strides = array<i32>} : memref<2x56x128xf32, #tpu.memory_space<vmem>>, vector<1x1x16xf32>,
          %swap3A_836 = vector.shape_cast %swap3A_835 : vector<1x1x16xf32> to vector<16xf32>
          %swap3A_837 = vector.shape_cast %broadcast_in_dim3A_23 : vector<16xf32> to vector<1x1x16xf32>
          tpu.vector_store %arg10[%swap3A_832, %swap3A_833, %swap3A_834], %swap3A_837 {strides = array<i32>} : memref<2x56x128xf32, #tpu.memory_space<vmem>>, vector<1x1x16xf32>,
        }
        %scan3A_658 = arith.constant 56 : i32
        %add3A_659 = arith.constant 2 : i32
        %add3A_660 = arith.addi %add3A_315, %add3A_659 : i32
        %mul3A_661 = arith.constant 56 : i32
        %mul3A_662 = arith.muli %add3A_660, %mul3A_661 : i32
        %dma_start3A_663 = arith.constant 0 : i32
        %dma_start3A_664 = arith.constant 0 : i32
        %dma_start3A_665 = arith.constant 0 : i32
        %dma_start3A_666 = tpu.memref_slice %arg9[%dma_start3A_663, %dma_start3A_664, %dma_start3A_665] : memref<2x56x128xf32, #tpu.memory_space<vmem>> -> memref<1x56x128xf32, #tpu.memory_space<vmem>>
        %dma_start3A_667 = tpu.memref_squeeze %dma_start3A_666 : memref<1x56x128xf32, #tpu.memory_space<vmem>> -> memref<56x128xf32, #tpu.memory_space<vmem>>
        %dma_start3A_668 = tpu.memref_slice %arg7[%mul3A_662] : memref<1568xi32, #tpu.memory_space<vmem>> -> memref<56xi32, #tpu.memory_space<vmem>>
        %dma_start3A_669 = arith.constant 0 : i32
        %dma_start3A_670 = arith.constant 0 : i32
        %dma_start3A_671 = tpu.memref_slice %arg2[%dma_start3A_669, %dma_start3A_670] : memref<50000x128xf32, #tpu.memory_space<hbm>> -> memref<50000x128xf32, #tpu.memory_space<hbm>>
        tpu.enqueue_indirect_dma source(%dma_start3A_671 : memref<50000x128xf32, #tpu.memory_space<hbm>>) target(%dma_start3A_667 : memref<56x128xf32, #tpu.memory_space<vmem>>) offsets(%dma_start3A_668 : memref<56xi32, #tpu.memory_space<vmem>>) semaphore(%arg11 : memref<!tpu.dma_semaphore, #tpu.memory_space<semaphore_mem>>)
        %add3A_672 = arith.constant 0 : i32
        %add3A_673 = arith.addi %add3A_672, %mul3A_662 : i32
        %dma_start3A_674 = arith.constant 0 : i32
        %dma_start3A_675 = arith.constant 0 : i32
        %dma_start3A_676 = arith.constant 0 : i32
        %dma_start3A_677 = tpu.memref_slice %arg10[%dma_start3A_674, %dma_start3A_675, %dma_start3A_676] : memref<2x56x128xf32, #tpu.memory_space<vmem>> -> memref<1x56x128xf32, #tpu.memory_space<vmem>>
        %dma_start3A_678 = tpu.memref_squeeze %dma_start3A_677 : memref<1x56x128xf32, #tpu.memory_space<vmem>> -> memref<56x128xf32, #tpu.memory_space<vmem>>
        %dma_start3A_679 = tpu.memref_slice %arg8[%add3A_673] : memref<15680xi32, #tpu.memory_space<vmem>> -> memref<56xi32, #tpu.memory_space<vmem>>
        %dma_start3A_680 = arith.constant 0 : i32
        %dma_start3A_681 = arith.constant 0 : i32
        %dma_start3A_682 = tpu.memref_slice %arg2[%dma_start3A_680, %dma_start3A_681] : memref<50000x128xf32, #tpu.memory_space<hbm>> -> memref<50000x128xf32, #tpu.memory_space<hbm>>
        tpu.enqueue_indirect_dma source(%dma_start3A_682 : memref<50000x128xf32, #tpu.memory_space<hbm>>) target(%dma_start3A_678 : memref<56x128xf32, #tpu.memory_space<vmem>>) offsets(%dma_start3A_679 : memref<56xi32, #tpu.memory_space<vmem>>) semaphore(%arg11 : memref<!tpu.dma_semaphore, #tpu.memory_space<semaphore_mem>>) {add = true}
        %add3A_683 = arith.constant 1568 : i32
        %add3A_684 = arith.addi %add3A_683, %mul3A_662 : i32
        %dma_start3A_685 = arith.constant 0 : i32
        %dma_start3A_686 = arith.constant 0 : i32
        %dma_start3A_687 = arith.constant 0 : i32
        %dma_start3A_688 = tpu.memref_slice %arg10[%dma_start3A_685, %dma_start3A_686, %dma_start3A_687] : memref<2x56x128xf32, #tpu.memory_space<vmem>> -> memref<1x56x128xf32, #tpu.memory_space<vmem>>
        %dma_start3A_689 = tpu.memref_squeeze %dma_start3A_688 : memref<1x56x128xf32, #tpu.memory_space<vmem>> -> memref<56x128xf32, #tpu.memory_space<vmem>>
        %dma_start3A_690 = tpu.memref_slice %arg8[%add3A_684] : memref<15680xi32, #tpu.memory_space<vmem>> -> memref<56xi32, #tpu.memory_space<vmem>>
        %dma_start3A_691 = arith.constant 0 : i32
        %dma_start3A_692 = arith.constant 0 : i32
        %dma_start3A_693 = tpu.memref_slice %arg2[%dma_start3A_691, %dma_start3A_692] : memref<50000x128xf32, #tpu.memory_space<hbm>> -> memref<50000x128xf32, #tpu.memory_space<hbm>>
        tpu.enqueue_indirect_dma source(%dma_start3A_693 : memref<50000x128xf32, #tpu.memory_space<hbm>>) target(%dma_start3A_689 : memref<56x128xf32, #tpu.memory_space<vmem>>) offsets(%dma_start3A_690 : memref<56xi32, #tpu.memory_space<vmem>>) semaphore(%arg11 : memref<!tpu.dma_semaphore, #tpu.memory_space<semaphore_mem>>) {add = true}
        %add3A_694 = arith.constant 3136 : i32
        %add3A_695 = arith.addi %add3A_694, %mul3A_662 : i32
        %dma_start3A_696 = arith.constant 0 : i32
        %dma_start3A_697 = arith.constant 0 : i32
        %dma_start3A_698 = arith.constant 0 : i32
        %dma_start3A_699 = tpu.memref_slice %arg10[%dma_start3A_696, %dma_start3A_697, %dma_start3A_698] : memref<2x56x128xf32, #tpu.memory_space<vmem>> -> memref<1x56x128xf32, #tpu.memory_space<vmem>>
        %dma_start3A_700 = tpu.memref_squeeze %dma_start3A_699 : memref<1x56x128xf32, #tpu.memory_space<vmem>> -> memref<56x128xf32, #tpu.memory_space<vmem>>
        %dma_start3A_701 = tpu.memref_slice %arg8[%add3A_695] : memref<15680xi32, #tpu.memory_space<vmem>> -> memref<56xi32, #tpu.memory_space<vmem>>
        %dma_start3A_702 = arith.constant 0 : i32
        %dma_start3A_703 = arith.constant 0 : i32
        %dma_start3A_704 = tpu.memref_slice %arg2[%dma_start3A_702, %dma_start3A_703] : memref<50000x128xf32, #tpu.memory_space<hbm>> -> memref<50000x128xf32, #tpu.memory_space<hbm>>
        tpu.enqueue_indirect_dma source(%dma_start3A_704 : memref<50000x128xf32, #tpu.memory_space<hbm>>) target(%dma_start3A_700 : memref<56x128xf32, #tpu.memory_space<vmem>>) offsets(%dma_start3A_701 : memref<56xi32, #tpu.memory_space<vmem>>) semaphore(%arg11 : memref<!tpu.dma_semaphore, #tpu.memory_space<semaphore_mem>>) {add = true}
        %add3A_705 = arith.constant 4704 : i32
        %add3A_706 = arith.addi %add3A_705, %mul3A_662 : i32
        %dma_start3A_707 = arith.constant 0 : i32
        %dma_start3A_708 = arith.constant 0 : i32
        %dma_start3A_709 = arith.constant 0 : i32
        %dma_start3A_710 = tpu.memref_slice %arg10[%dma_start3A_707, %dma_start3A_708, %dma_start3A_709] : memref<2x56x128xf32, #tpu.memory_space<vmem>> -> memref<1x56x128xf32, #tpu.memory_space<vmem>>
        %dma_start3A_711 = tpu.memref_squeeze %dma_start3A_710 : memref<1x56x128xf32, #tpu.memory_space<vmem>> -> memref<56x128xf32, #tpu.memory_space<vmem>>
        %dma_start3A_712 = tpu.memref_slice %arg8[%add3A_706] : memref<15680xi32, #tpu.memory_space<vmem>> -> memref<56xi32, #tpu.memory_space<vmem>>
        %dma_start3A_713 = arith.constant 0 : i32
        %dma_start3A_714 = arith.constant 0 : i32
        %dma_start3A_715 = tpu.memref_slice %arg2[%dma_start3A_713, %dma_start3A_714] : memref<50000x128xf32, #tpu.memory_space<hbm>> -> memref<50000x128xf32, #tpu.memory_space<hbm>>
        tpu.enqueue_indirect_dma source(%dma_start3A_715 : memref<50000x128xf32, #tpu.memory_space<hbm>>) target(%dma_start3A_711 : memref<56x128xf32, #tpu.memory_space<vmem>>) offsets(%dma_start3A_712 : memref<56xi32, #tpu.memory_space<vmem>>) semaphore(%arg11 : memref<!tpu.dma_semaphore, #tpu.memory_space<semaphore_mem>>) {add = true}
        %add3A_716 = arith.constant 6272 : i32
        %add3A_717 = arith.addi %add3A_716, %mul3A_662 : i32
        %dma_start3A_718 = arith.constant 0 : i32
        %dma_start3A_719 = arith.constant 0 : i32
        %dma_start3A_720 = arith.constant 0 : i32
        %dma_start3A_721 = tpu.memref_slice %arg10[%dma_start3A_718, %dma_start3A_719, %dma_start3A_720] : memref<2x56x128xf32, #tpu.memory_space<vmem>> -> memref<1x56x128xf32, #tpu.memory_space<vmem>>
        %dma_start3A_722 = tpu.memref_squeeze %dma_start3A_721 : memref<1x56x128xf32, #tpu.memory_space<vmem>> -> memref<56x128xf32, #tpu.memory_space<vmem>>
        %dma_start3A_723 = tpu.memref_slice %arg8[%add3A_717] : memref<15680xi32, #tpu.memory_space<vmem>> -> memref<56xi32, #tpu.memory_space<vmem>>
        %dma_start3A_724 = arith.constant 0 : i32
        %dma_start3A_725 = arith.constant 0 : i32
        %dma_start3A_726 = tpu.memref_slice %arg2[%dma_start3A_724, %dma_start3A_725] : memref<50000x128xf32, #tpu.memory_space<hbm>> -> memref<50000x128xf32, #tpu.memory_space<hbm>>
        tpu.enqueue_indirect_dma source(%dma_start3A_726 : memref<50000x128xf32, #tpu.memory_space<hbm>>) target(%dma_start3A_722 : memref<56x128xf32, #tpu.memory_space<vmem>>) offsets(%dma_start3A_723 : memref<56xi32, #tpu.memory_space<vmem>>) semaphore(%arg11 : memref<!tpu.dma_semaphore, #tpu.memory_space<semaphore_mem>>) {add = true}
        %add3A_727 = arith.constant 7840 : i32
        %add3A_728 = arith.addi %add3A_727, %mul3A_662 : i32
        %dma_start3A_729 = arith.constant 0 : i32
        %dma_start3A_730 = arith.constant 0 : i32
        %dma_start3A_731 = arith.constant 0 : i32
        %dma_start3A_732 = tpu.memref_slice %arg10[%dma_start3A_729, %dma_start3A_730, %dma_start3A_731] : memref<2x56x128xf32, #tpu.memory_space<vmem>> -> memref<1x56x128xf32, #tpu.memory_space<vmem>>
        %dma_start3A_733 = tpu.memref_squeeze %dma_start3A_732 : memref<1x56x128xf32, #tpu.memory_space<vmem>> -> memref<56x128xf32, #tpu.memory_space<vmem>>
        %dma_start3A_734 = tpu.memref_slice %arg8[%add3A_728] : memref<15680xi32, #tpu.memory_space<vmem>> -> memref<56xi32, #tpu.memory_space<vmem>>
        %dma_start3A_735 = arith.constant 0 : i32
        %dma_start3A_736 = arith.constant 0 : i32
        %dma_start3A_737 = tpu.memref_slice %arg2[%dma_start3A_735, %dma_start3A_736] : memref<50000x128xf32, #tpu.memory_space<hbm>> -> memref<50000x128xf32, #tpu.memory_space<hbm>>
        tpu.enqueue_indirect_dma source(%dma_start3A_737 : memref<50000x128xf32, #tpu.memory_space<hbm>>) target(%dma_start3A_733 : memref<56x128xf32, #tpu.memory_space<vmem>>) offsets(%dma_start3A_734 : memref<56xi32, #tpu.memory_space<vmem>>) semaphore(%arg11 : memref<!tpu.dma_semaphore, #tpu.memory_space<semaphore_mem>>) {add = true}
        %add3A_738 = arith.constant 9408 : i32
        %add3A_739 = arith.addi %add3A_738, %mul3A_662 : i32
        %dma_start3A_740 = arith.constant 0 : i32
        %dma_start3A_741 = arith.constant 0 : i32
        %dma_start3A_742 = arith.constant 0 : i32
        %dma_start3A_743 = tpu.memref_slice %arg10[%dma_start3A_740, %dma_start3A_741, %dma_start3A_742] : memref<2x56x128xf32, #tpu.memory_space<vmem>> -> memref<1x56x128xf32, #tpu.memory_space<vmem>>
        %dma_start3A_744 = tpu.memref_squeeze %dma_start3A_743 : memref<1x56x128xf32, #tpu.memory_space<vmem>> -> memref<56x128xf32, #tpu.memory_space<vmem>>
        %dma_start3A_745 = tpu.memref_slice %arg8[%add3A_739] : memref<15680xi32, #tpu.memory_space<vmem>> -> memref<56xi32, #tpu.memory_space<vmem>>
        %dma_start3A_746 = arith.constant 0 : i32
        %dma_start3A_747 = arith.constant 0 : i32
        %dma_start3A_748 = tpu.memref_slice %arg2[%dma_start3A_746, %dma_start3A_747] : memref<50000x128xf32, #tpu.memory_space<hbm>> -> memref<50000x128xf32, #tpu.memory_space<hbm>>
        tpu.enqueue_indirect_dma source(%dma_start3A_748 : memref<50000x128xf32, #tpu.memory_space<hbm>>) target(%dma_start3A_744 : memref<56x128xf32, #tpu.memory_space<vmem>>) offsets(%dma_start3A_745 : memref<56xi32, #tpu.memory_space<vmem>>) semaphore(%arg11 : memref<!tpu.dma_semaphore, #tpu.memory_space<semaphore_mem>>) {add = true}
        %add3A_749 = arith.constant 10976 : i32
        %add3A_750 = arith.addi %add3A_749, %mul3A_662 : i32
        %dma_start3A_751 = arith.constant 0 : i32
        %dma_start3A_752 = arith.constant 0 : i32
        %dma_start3A_753 = arith.constant 0 : i32
        %dma_start3A_754 = tpu.memref_slice %arg10[%dma_start3A_751, %dma_start3A_752, %dma_start3A_753] : memref<2x56x128xf32, #tpu.memory_space<vmem>> -> memref<1x56x128xf32, #tpu.memory_space<vmem>>
        %dma_start3A_755 = tpu.memref_squeeze %dma_start3A_754 : memref<1x56x128xf32, #tpu.memory_space<vmem>> -> memref<56x128xf32, #tpu.memory_space<vmem>>
        %dma_start3A_756 = tpu.memref_slice %arg8[%add3A_750] : memref<15680xi32, #tpu.memory_space<vmem>> -> memref<56xi32, #tpu.memory_space<vmem>>
        %dma_start3A_757 = arith.constant 0 : i32
        %dma_start3A_758 = arith.constant 0 : i32
        %dma_start3A_759 = tpu.memref_slice %arg2[%dma_start3A_757, %dma_start3A_758] : memref<50000x128xf32, #tpu.memory_space<hbm>> -> memref<50000x128xf32, #tpu.memory_space<hbm>>
        tpu.enqueue_indirect_dma source(%dma_start3A_759 : memref<50000x128xf32, #tpu.memory_space<hbm>>) target(%dma_start3A_755 : memref<56x128xf32, #tpu.memory_space<vmem>>) offsets(%dma_start3A_756 : memref<56xi32, #tpu.memory_space<vmem>>) semaphore(%arg11 : memref<!tpu.dma_semaphore, #tpu.memory_space<semaphore_mem>>) {add = true}
        %add3A_760 = arith.constant 12544 : i32
        %add3A_761 = arith.addi %add3A_760, %mul3A_662 : i32
        %dma_start3A_762 = arith.constant 0 : i32
        %dma_start3A_763 = arith.constant 0 : i32
        %dma_start3A_764 = arith.constant 0 : i32
        %dma_start3A_765 = tpu.memref_slice %arg10[%dma_start3A_762, %dma_start3A_763, %dma_start3A_764] : memref<2x56x128xf32, #tpu.memory_space<vmem>> -> memref<1x56x128xf32, #tpu.memory_space<vmem>>
        %dma_start3A_766 = tpu.memref_squeeze %dma_start3A_765 : memref<1x56x128xf32, #tpu.memory_space<vmem>> -> memref<56x128xf32, #tpu.memory_space<vmem>>
        %dma_start3A_767 = tpu.memref_slice %arg8[%add3A_761] : memref<15680xi32, #tpu.memory_space<vmem>> -> memref<56xi32, #tpu.memory_space<vmem>>
        %dma_start3A_768 = arith.constant 0 : i32
        %dma_start3A_769 = arith.constant 0 : i32
        %dma_start3A_770 = tpu.memref_slice %arg2[%dma_start3A_768, %dma_start3A_769] : memref<50000x128xf32, #tpu.memory_space<hbm>> -> memref<50000x128xf32, #tpu.memory_space<hbm>>
        tpu.enqueue_indirect_dma source(%dma_start3A_770 : memref<50000x128xf32, #tpu.memory_space<hbm>>) target(%dma_start3A_766 : memref<56x128xf32, #tpu.memory_space<vmem>>) offsets(%dma_start3A_767 : memref<56xi32, #tpu.memory_space<vmem>>) semaphore(%arg11 : memref<!tpu.dma_semaphore, #tpu.memory_space<semaphore_mem>>) {add = true}
        %add3A_771 = arith.constant 14112 : i32
        %add3A_772 = arith.addi %add3A_771, %mul3A_662 : i32
        %dma_start3A_773 = arith.constant 0 : i32
        %dma_start3A_774 = arith.constant 0 : i32
        %dma_start3A_775 = arith.constant 0 : i32
        %dma_start3A_776 = tpu.memref_slice %arg10[%dma_start3A_773, %dma_start3A_774, %dma_start3A_775] : memref<2x56x128xf32, #tpu.memory_space<vmem>> -> memref<1x56x128xf32, #tpu.memory_space<vmem>>
        %dma_start3A_777 = tpu.memref_squeeze %dma_start3A_776 : memref<1x56x128xf32, #tpu.memory_space<vmem>> -> memref<56x128xf32, #tpu.memory_space<vmem>>
        %dma_start3A_778 = tpu.memref_slice %arg8[%add3A_772] : memref<15680xi32, #tpu.memory_space<vmem>> -> memref<56xi32, #tpu.memory_space<vmem>>
        %dma_start3A_779 = arith.constant 0 : i32
        %dma_start3A_780 = arith.constant 0 : i32
        %dma_start3A_781 = tpu.memref_slice %arg2[%dma_start3A_779, %dma_start3A_780] : memref<50000x128xf32, #tpu.memory_space<hbm>> -> memref<50000x128xf32, #tpu.memory_space<hbm>>
        tpu.enqueue_indirect_dma source(%dma_start3A_781 : memref<50000x128xf32, #tpu.memory_space<hbm>>) target(%dma_start3A_777 : memref<56x128xf32, #tpu.memory_space<vmem>>) offsets(%dma_start3A_778 : memref<56xi32, #tpu.memory_space<vmem>>) semaphore(%arg11 : memref<!tpu.dma_semaphore, #tpu.memory_space<semaphore_mem>>) {add = true}
      } else {
      }
      %mul3A_468 = arith.constant 2 : i32
      %mul3A_469 = arith.muli %mul3A_468, %scan3A_311 : i32
      %add3A_470 = arith.constant 1 : i32
      %add3A_471 = arith.addi %mul3A_469, %add3A_470 : i32
      %mul3A_472 = arith.constant 56 : i32
      %mul3A_473 = arith.muli %add3A_471, %mul3A_472 : i32
      %dma_wait3A_474 = arith.constant 1 : i32
      %dma_wait3A_475 = arith.constant 0 : i32
      %dma_wait3A_476 = arith.constant 0 : i32
      %dma_wait3A_477 = tpu.memref_slice %arg9[%dma_wait3A_474, %dma_wait3A_475, %dma_wait3A_476] : memref<2x56x128xf32, #tpu.memory_space<vmem>> -> memref<1x56x128xf32, #tpu.memory_space<vmem>>
      %dma_wait3A_478 = tpu.memref_squeeze %dma_wait3A_477 : memref<1x56x128xf32, #tpu.memory_space<vmem>> -> memref<56x128xf32, #tpu.memory_space<vmem>>
      %dma_wait3A_479 = tpu.memref_slice %arg7[%mul3A_473] : memref<1568xi32, #tpu.memory_space<vmem>> -> memref<56xi32, #tpu.memory_space<vmem>>
      %dma_wait3A_480 = arith.constant 0 : i32
      %dma_wait3A_481 = arith.constant 0 : i32
      %dma_wait3A_482 = tpu.memref_slice %arg2[%dma_wait3A_480, %dma_wait3A_481] : memref<50000x128xf32, #tpu.memory_space<hbm>> -> memref<50000x128xf32, #tpu.memory_space<hbm>>
      tpu.wait_indirect_dma semaphore(%arg12 : memref<!tpu.dma_semaphore, #tpu.memory_space<semaphore_mem>>) src(%dma_wait3A_482 : memref<50000x128xf32, #tpu.memory_space<hbm>>) dst(%dma_wait3A_478 : memref<56x128xf32, #tpu.memory_space<vmem>>)
      %add3A_483 = arith.constant 0 : i32
      %add3A_484 = arith.addi %add3A_483, %mul3A_473 : i32
      %dma_wait3A_485 = arith.constant 1 : i32
      %dma_wait3A_486 = arith.constant 0 : i32
      %dma_wait3A_487 = arith.constant 0 : i32
      %dma_wait3A_488 = tpu.memref_slice %arg10[%dma_wait3A_485, %dma_wait3A_486, %dma_wait3A_487] : memref<2x56x128xf32, #tpu.memory_space<vmem>> -> memref<1x56x128xf32, #tpu.memory_space<vmem>>
      %dma_wait3A_489 = tpu.memref_squeeze %dma_wait3A_488 : memref<1x56x128xf32, #tpu.memory_space<vmem>> -> memref<56x128xf32, #tpu.memory_space<vmem>>
      %dma_wait3A_490 = tpu.memref_slice %arg8[%add3A_484] : memref<15680xi32, #tpu.memory_space<vmem>> -> memref<56xi32, #tpu.memory_space<vmem>>
      %dma_wait3A_491 = arith.constant 0 : i32
      %dma_wait3A_492 = arith.constant 0 : i32
      %dma_wait3A_493 = tpu.memref_slice %arg2[%dma_wait3A_491, %dma_wait3A_492] : memref<50000x128xf32, #tpu.memory_space<hbm>> -> memref<50000x128xf32, #tpu.memory_space<hbm>>
      tpu.wait_indirect_dma semaphore(%arg12 : memref<!tpu.dma_semaphore, #tpu.memory_space<semaphore_mem>>) src(%dma_wait3A_493 : memref<50000x128xf32, #tpu.memory_space<hbm>>) dst(%dma_wait3A_489 : memref<56x128xf32, #tpu.memory_space<vmem>>)
      %add3A_494 = arith.constant 1568 : i32
      %add3A_495 = arith.addi %add3A_494, %mul3A_473 : i32
      %dma_wait3A_496 = arith.constant 1 : i32
      %dma_wait3A_497 = arith.constant 0 : i32
      %dma_wait3A_498 = arith.constant 0 : i32
      %dma_wait3A_499 = tpu.memref_slice %arg10[%dma_wait3A_496, %dma_wait3A_497, %dma_wait3A_498] : memref<2x56x128xf32, #tpu.memory_space<vmem>> -> memref<1x56x128xf32, #tpu.memory_space<vmem>>
      %dma_wait3A_500 = tpu.memref_squeeze %dma_wait3A_499 : memref<1x56x128xf32, #tpu.memory_space<vmem>> -> memref<56x128xf32, #tpu.memory_space<vmem>>
      %dma_wait3A_501 = tpu.memref_slice %arg8[%add3A_495] : memref<15680xi32, #tpu.memory_space<vmem>> -> memref<56xi32, #tpu.memory_space<vmem>>
      %dma_wait3A_502 = arith.constant 0 : i32
      %dma_wait3A_503 = arith.constant 0 : i32
      %dma_wait3A_504 = tpu.memref_slice %arg2[%dma_wait3A_502, %dma_wait3A_503] : memref<50000x128xf32, #tpu.memory_space<hbm>> -> memref<50000x128xf32, #tpu.memory_space<hbm>>
      tpu.wait_indirect_dma semaphore(%arg12 : memref<!tpu.dma_semaphore, #tpu.memory_space<semaphore_mem>>) src(%dma_wait3A_504 : memref<50000x128xf32, #tpu.memory_space<hbm>>) dst(%dma_wait3A_500 : memref<56x128xf32, #tpu.memory_space<vmem>>)
      %add3A_505 = arith.constant 3136 : i32
      %add3A_506 = arith.addi %add3A_505, %mul3A_473 : i32
      %dma_wait3A_507 = arith.constant 1 : i32
      %dma_wait3A_508 = arith.constant 0 : i32
      %dma_wait3A_509 = arith.constant 0 : i32
      %dma_wait3A_510 = tpu.memref_slice %arg10[%dma_wait3A_507, %dma_wait3A_508, %dma_wait3A_509] : memref<2x56x128xf32, #tpu.memory_space<vmem>> -> memref<1x56x128xf32, #tpu.memory_space<vmem>>
      %dma_wait3A_511 = tpu.memref_squeeze %dma_wait3A_510 : memref<1x56x128xf32, #tpu.memory_space<vmem>> -> memref<56x128xf32, #tpu.memory_space<vmem>>
      %dma_wait3A_512 = tpu.memref_slice %arg8[%add3A_506] : memref<15680xi32, #tpu.memory_space<vmem>> -> memref<56xi32, #tpu.memory_space<vmem>>
      %dma_wait3A_513 = arith.constant 0 : i32
      %dma_wait3A_514 = arith.constant 0 : i32
      %dma_wait3A_515 = tpu.memref_slice %arg2[%dma_wait3A_513, %dma_wait3A_514] : memref<50000x128xf32, #tpu.memory_space<hbm>> -> memref<50000x128xf32, #tpu.memory_space<hbm>>
      tpu.wait_indirect_dma semaphore(%arg12 : memref<!tpu.dma_semaphore, #tpu.memory_space<semaphore_mem>>) src(%dma_wait3A_515 : memref<50000x128xf32, #tpu.memory_space<hbm>>) dst(%dma_wait3A_511 : memref<56x128xf32, #tpu.memory_space<vmem>>)
      %add3A_516 = arith.constant 4704 : i32
      %add3A_517 = arith.addi %add3A_516, %mul3A_473 : i32
      %dma_wait3A_518 = arith.constant 1 : i32
      %dma_wait3A_519 = arith.constant 0 : i32
      %dma_wait3A_520 = arith.constant 0 : i32
      %dma_wait3A_521 = tpu.memref_slice %arg10[%dma_wait3A_518, %dma_wait3A_519, %dma_wait3A_520] : memref<2x56x128xf32, #tpu.memory_space<vmem>> -> memref<1x56x128xf32, #tpu.memory_space<vmem>>
      %dma_wait3A_522 = tpu.memref_squeeze %dma_wait3A_521 : memref<1x56x128xf32, #tpu.memory_space<vmem>> -> memref<56x128xf32, #tpu.memory_space<vmem>>
      %dma_wait3A_523 = tpu.memref_slice %arg8[%add3A_517] : memref<15680xi32, #tpu.memory_space<vmem>> -> memref<56xi32, #tpu.memory_space<vmem>>
      %dma_wait3A_524 = arith.constant 0 : i32
      %dma_wait3A_525 = arith.constant 0 : i32
      %dma_wait3A_526 = tpu.memref_slice %arg2[%dma_wait3A_524, %dma_wait3A_525] : memref<50000x128xf32, #tpu.memory_space<hbm>> -> memref<50000x128xf32, #tpu.memory_space<hbm>>
      tpu.wait_indirect_dma semaphore(%arg12 : memref<!tpu.dma_semaphore, #tpu.memory_space<semaphore_mem>>) src(%dma_wait3A_526 : memref<50000x128xf32, #tpu.memory_space<hbm>>) dst(%dma_wait3A_522 : memref<56x128xf32, #tpu.memory_space<vmem>>)
      %add3A_527 = arith.constant 6272 : i32
      %add3A_528 = arith.addi %add3A_527, %mul3A_473 : i32
      %dma_wait3A_529 = arith.constant 1 : i32
      %dma_wait3A_530 = arith.constant 0 : i32
      %dma_wait3A_531 = arith.constant 0 : i32
      %dma_wait3A_532 = tpu.memref_slice %arg10[%dma_wait3A_529, %dma_wait3A_530, %dma_wait3A_531] : memref<2x56x128xf32, #tpu.memory_space<vmem>> -> memref<1x56x128xf32, #tpu.memory_space<vmem>>
      %dma_wait3A_533 = tpu.memref_squeeze %dma_wait3A_532 : memref<1x56x128xf32, #tpu.memory_space<vmem>> -> memref<56x128xf32, #tpu.memory_space<vmem>>
      %dma_wait3A_534 = tpu.memref_slice %arg8[%add3A_528] : memref<15680xi32, #tpu.memory_space<vmem>> -> memref<56xi32, #tpu.memory_space<vmem>>
      %dma_wait3A_535 = arith.constant 0 : i32
      %dma_wait3A_536 = arith.constant 0 : i32
      %dma_wait3A_537 = tpu.memref_slice %arg2[%dma_wait3A_535, %dma_wait3A_536] : memref<50000x128xf32, #tpu.memory_space<hbm>> -> memref<50000x128xf32, #tpu.memory_space<hbm>>
      tpu.wait_indirect_dma semaphore(%arg12 : memref<!tpu.dma_semaphore, #tpu.memory_space<semaphore_mem>>) src(%dma_wait3A_537 : memref<50000x128xf32, #tpu.memory_space<hbm>>) dst(%dma_wait3A_533 : memref<56x128xf32, #tpu.memory_space<vmem>>)
      %add3A_538 = arith.constant 7840 : i32
      %add3A_539 = arith.addi %add3A_538, %mul3A_473 : i32
      %dma_wait3A_540 = arith.constant 1 : i32
      %dma_wait3A_541 = arith.constant 0 : i32
      %dma_wait3A_542 = arith.constant 0 : i32
      %dma_wait3A_543 = tpu.memref_slice %arg10[%dma_wait3A_540, %dma_wait3A_541, %dma_wait3A_542] : memref<2x56x128xf32, #tpu.memory_space<vmem>> -> memref<1x56x128xf32, #tpu.memory_space<vmem>>
      %dma_wait3A_544 = tpu.memref_squeeze %dma_wait3A_543 : memref<1x56x128xf32, #tpu.memory_space<vmem>> -> memref<56x128xf32, #tpu.memory_space<vmem>>
      %dma_wait3A_545 = tpu.memref_slice %arg8[%add3A_539] : memref<15680xi32, #tpu.memory_space<vmem>> -> memref<56xi32, #tpu.memory_space<vmem>>
      %dma_wait3A_546 = arith.constant 0 : i32
      %dma_wait3A_547 = arith.constant 0 : i32
      %dma_wait3A_548 = tpu.memref_slice %arg2[%dma_wait3A_546, %dma_wait3A_547] : memref<50000x128xf32, #tpu.memory_space<hbm>> -> memref<50000x128xf32, #tpu.memory_space<hbm>>
      tpu.wait_indirect_dma semaphore(%arg12 : memref<!tpu.dma_semaphore, #tpu.memory_space<semaphore_mem>>) src(%dma_wait3A_548 : memref<50000x128xf32, #tpu.memory_space<hbm>>) dst(%dma_wait3A_544 : memref<56x128xf32, #tpu.memory_space<vmem>>)
      %add3A_549 = arith.constant 9408 : i32
      %add3A_550 = arith.addi %add3A_549, %mul3A_473 : i32
      %dma_wait3A_551 = arith.constant 1 : i32
      %dma_wait3A_552 = arith.constant 0 : i32
      %dma_wait3A_553 = arith.constant 0 : i32
      %dma_wait3A_554 = tpu.memref_slice %arg10[%dma_wait3A_551, %dma_wait3A_552, %dma_wait3A_553] : memref<2x56x128xf32, #tpu.memory_space<vmem>> -> memref<1x56x128xf32, #tpu.memory_space<vmem>>
      %dma_wait3A_555 = tpu.memref_squeeze %dma_wait3A_554 : memref<1x56x128xf32, #tpu.memory_space<vmem>> -> memref<56x128xf32, #tpu.memory_space<vmem>>
      %dma_wait3A_556 = tpu.memref_slice %arg8[%add3A_550] : memref<15680xi32, #tpu.memory_space<vmem>> -> memref<56xi32, #tpu.memory_space<vmem>>
      %dma_wait3A_557 = arith.constant 0 : i32
      %dma_wait3A_558 = arith.constant 0 : i32
      %dma_wait3A_559 = tpu.memref_slice %arg2[%dma_wait3A_557, %dma_wait3A_558] : memref<50000x128xf32, #tpu.memory_space<hbm>> -> memref<50000x128xf32, #tpu.memory_space<hbm>>
      tpu.wait_indirect_dma semaphore(%arg12 : memref<!tpu.dma_semaphore, #tpu.memory_space<semaphore_mem>>) src(%dma_wait3A_559 : memref<50000x128xf32, #tpu.memory_space<hbm>>) dst(%dma_wait3A_555 : memref<56x128xf32, #tpu.memory_space<vmem>>)
      %add3A_560 = arith.constant 10976 : i32
      %add3A_561 = arith.addi %add3A_560, %mul3A_473 : i32
      %dma_wait3A_562 = arith.constant 1 : i32
      %dma_wait3A_563 = arith.constant 0 : i32
      %dma_wait3A_564 = arith.constant 0 : i32
      %dma_wait3A_565 = tpu.memref_slice %arg10[%dma_wait3A_562, %dma_wait3A_563, %dma_wait3A_564] : memref<2x56x128xf32, #tpu.memory_space<vmem>> -> memref<1x56x128xf32, #tpu.memory_space<vmem>>
      %dma_wait3A_566 = tpu.memref_squeeze %dma_wait3A_565 : memref<1x56x128xf32, #tpu.memory_space<vmem>> -> memref<56x128xf32, #tpu.memory_space<vmem>>
      %dma_wait3A_567 = tpu.memref_slice %arg8[%add3A_561] : memref<15680xi32, #tpu.memory_space<vmem>> -> memref<56xi32, #tpu.memory_space<vmem>>
      %dma_wait3A_568 = arith.constant 0 : i32
      %dma_wait3A_569 = arith.constant 0 : i32
      %dma_wait3A_570 = tpu.memref_slice %arg2[%dma_wait3A_568, %dma_wait3A_569] : memref<50000x128xf32, #tpu.memory_space<hbm>> -> memref<50000x128xf32, #tpu.memory_space<hbm>>
      tpu.wait_indirect_dma semaphore(%arg12 : memref<!tpu.dma_semaphore, #tpu.memory_space<semaphore_mem>>) src(%dma_wait3A_570 : memref<50000x128xf32, #tpu.memory_space<hbm>>) dst(%dma_wait3A_566 : memref<56x128xf32, #tpu.memory_space<vmem>>)
      %add3A_571 = arith.constant 12544 : i32
      %add3A_572 = arith.addi %add3A_571, %mul3A_473 : i32
      %dma_wait3A_573 = arith.constant 1 : i32
      %dma_wait3A_574 = arith.constant 0 : i32
      %dma_wait3A_575 = arith.constant 0 : i32
      %dma_wait3A_576 = tpu.memref_slice %arg10[%dma_wait3A_573, %dma_wait3A_574, %dma_wait3A_575] : memref<2x56x128xf32, #tpu.memory_space<vmem>> -> memref<1x56x128xf32, #tpu.memory_space<vmem>>
      %dma_wait3A_577 = tpu.memref_squeeze %dma_wait3A_576 : memref<1x56x128xf32, #tpu.memory_space<vmem>> -> memref<56x128xf32, #tpu.memory_space<vmem>>
      %dma_wait3A_578 = tpu.memref_slice %arg8[%add3A_572] : memref<15680xi32, #tpu.memory_space<vmem>> -> memref<56xi32, #tpu.memory_space<vmem>>
      %dma_wait3A_579 = arith.constant 0 : i32
      %dma_wait3A_580 = arith.constant 0 : i32
      %dma_wait3A_581 = tpu.memref_slice %arg2[%dma_wait3A_579, %dma_wait3A_580] : memref<50000x128xf32, #tpu.memory_space<hbm>> -> memref<50000x128xf32, #tpu.memory_space<hbm>>
      tpu.wait_indirect_dma semaphore(%arg12 : memref<!tpu.dma_semaphore, #tpu.memory_space<semaphore_mem>>) src(%dma_wait3A_581 : memref<50000x128xf32, #tpu.memory_space<hbm>>) dst(%dma_wait3A_577 : memref<56x128xf32, #tpu.memory_space<vmem>>)
      %add3A_582 = arith.constant 14112 : i32
      %add3A_583 = arith.addi %add3A_582, %mul3A_473 : i32
      %dma_wait3A_584 = arith.constant 1 : i32
      %dma_wait3A_585 = arith.constant 0 : i32
      %dma_wait3A_586 = arith.constant 0 : i32
      %dma_wait3A_587 = tpu.memref_slice %arg10[%dma_wait3A_584, %dma_wait3A_585, %dma_wait3A_586] : memref<2x56x128xf32, #tpu.memory_space<vmem>> -> memref<1x56x128xf32, #tpu.memory_space<vmem>>
      %dma_wait3A_588 = tpu.memref_squeeze %dma_wait3A_587 : memref<1x56x128xf32, #tpu.memory_space<vmem>> -> memref<56x128xf32, #tpu.memory_space<vmem>>
      %dma_wait3A_589 = tpu.memref_slice %arg8[%add3A_583] : memref<15680xi32, #tpu.memory_space<vmem>> -> memref<56xi32, #tpu.memory_space<vmem>>
      %dma_wait3A_590 = arith.constant 0 : i32
      %dma_wait3A_591 = arith.constant 0 : i32
      %dma_wait3A_592 = tpu.memref_slice %arg2[%dma_wait3A_590, %dma_wait3A_591] : memref<50000x128xf32, #tpu.memory_space<hbm>> -> memref<50000x128xf32, #tpu.memory_space<hbm>>
      tpu.wait_indirect_dma semaphore(%arg12 : memref<!tpu.dma_semaphore, #tpu.memory_space<semaphore_mem>>) src(%dma_wait3A_592 : memref<50000x128xf32, #tpu.memory_space<hbm>>) dst(%dma_wait3A_588 : memref<56x128xf32, #tpu.memory_space<vmem>>)
      %mul3A_593 = arith.constant 56 : i32
      %mul3A_594 = arith.muli %add3A_471, %mul3A_593 : i32
      %add3A_595 = arith.addi %mul3A_2, %mul3A_594 : i32
      %dma_start3A_596 = arith.constant 1 : i32
      %dma_start3A_597 = arith.constant 0 : i32
      %dma_start3A_598 = arith.constant 0 : i32
      %dma_start3A_599 = tpu.memref_slice %arg9[%dma_start3A_596, %dma_start3A_597, %dma_start3A_598] : memref<2x56x128xf32, #tpu.memory_space<vmem>> -> memref<1x56x128xf32, #tpu.memory_space<vmem>>
      %dma_start3A_600 = tpu.memref_squeeze %dma_start3A_599 : memref<1x56x128xf32, #tpu.memory_space<vmem>> -> memref<56x128xf32, #tpu.memory_space<vmem>>
      %dma_start3A_601 = arith.constant 0 : i32
      %dma_start3A_602 = tpu.memref_slice %arg5[%add3A_595, %dma_start3A_601] : memref<50176x128xf32, #tpu.memory_space<hbm>> -> memref<56x128xf32, #tpu.memory_space<hbm>>
      %dma_start3A_603 = arith.constant 0 : i32
      %dma_start3A_604 = tpu.memref_slice %arg5[%add3A_595, %dma_start3A_603] : memref<50176x128xf32, #tpu.memory_space<hbm>> -> memref<56x128xf32, #tpu.memory_space<hbm>>
      %dma_start3A_605 = arith.constant 0 : i32
      %dma_start3A_606 = arith.constant 0 : i32
      %dma_start3A_607 = tpu.memref_slice %arg9[%dma_start3A_596, %dma_start3A_605, %dma_start3A_606] : memref<2x56x128xf32, #tpu.memory_space<vmem>> -> memref<1x56x128xf32, #tpu.memory_space<vmem>>
      %dma_start3A_608 = tpu.memref_squeeze %dma_start3A_607 : memref<1x56x128xf32, #tpu.memory_space<vmem>> -> memref<56x128xf32, #tpu.memory_space<vmem>>
      tpu.enqueue_dma source(%dma_start3A_608 : memref<56x128xf32, #tpu.memory_space<vmem>>) target(%dma_start3A_604 : memref<56x128xf32, #tpu.memory_space<hbm>>) target_semaphore(%arg14 : memref<!tpu.dma_semaphore, #tpu.memory_space<semaphore_mem>>)
      %dma_start3A_609 = arith.constant 1 : i32
      %dma_start3A_610 = arith.constant 0 : i32
      %dma_start3A_611 = arith.constant 0 : i32
      %dma_start3A_612 = tpu.memref_slice %arg10[%dma_start3A_609, %dma_start3A_610, %dma_start3A_611] : memref<2x56x128xf32, #tpu.memory_space<vmem>> -> memref<1x56x128xf32, #tpu.memory_space<vmem>>
      %dma_start3A_613 = tpu.memref_squeeze %dma_start3A_612 : memref<1x56x128xf32, #tpu.memory_space<vmem>> -> memref<56x128xf32, #tpu.memory_space<vmem>>
      %dma_start3A_614 = arith.constant 0 : i32
      %dma_start3A_615 = tpu.memref_slice %arg6[%add3A_595, %dma_start3A_614] : memref<50176x128xf32, #tpu.memory_space<hbm>> -> memref<56x128xf32, #tpu.memory_space<hbm>>
      %dma_start3A_616 = arith.constant 0 : i32
      %dma_start3A_617 = tpu.memref_slice %arg6[%add3A_595, %dma_start3A_616] : memref<50176x128xf32, #tpu.memory_space<hbm>> -> memref<56x128xf32, #tpu.memory_space<hbm>>
      %dma_start3A_618 = arith.constant 0 : i32
      %dma_start3A_619 = arith.constant 0 : i32
      %dma_start3A_620 = tpu.memref_slice %arg10[%dma_start3A_609, %dma_start3A_618, %dma_start3A_619] : memref<2x56x128xf32, #tpu.memory_space<vmem>> -> memref<1x56x128xf32, #tpu.memory_space<vmem>>
      %dma_start3A_621 = tpu.memref_squeeze %dma_start3A_620 : memref<1x56x128xf32, #tpu.memory_space<vmem>> -> memref<56x128xf32, #tpu.memory_space<vmem>>
      tpu.enqueue_dma source(%dma_start3A_621 : memref<56x128xf32, #tpu.memory_space<vmem>>) target(%dma_start3A_617 : memref<56x128xf32, #tpu.memory_space<hbm>>) target_semaphore(%arg14 : memref<!tpu.dma_semaphore, #tpu.memory_space<semaphore_mem>>)
      %lt3A_622 = arith.constant 13 : i32
      %lt3A_623 = arith.cmpi slt, %scan3A_311, %lt3A_622 : i32
      %convert_element_type3A_624 = arith.extui %lt3A_623 : i1 to i32
      %cond3A_625 = arith.constant 0 : i32
      %cond3A_626 = arith.cmpi ne, %convert_element_type3A_624, %cond3A_625 : i32
      scf.if %cond3A_626 {
        %dma_wait3A_627 = arith.constant 1 : i32
        %dma_wait3A_628 = arith.constant 0 : i32
        %dma_wait3A_629 = arith.constant 0 : i32
        %dma_wait3A_630 = tpu.memref_slice %arg9[%dma_wait3A_627, %dma_wait3A_628, %dma_wait3A_629] : memref<2x56x128xf32, #tpu.memory_space<vmem>> -> memref<1x56x128xf32, #tpu.memory_space<vmem>>
        %dma_wait3A_631 = tpu.memref_squeeze %dma_wait3A_630 : memref<1x56x128xf32, #tpu.memory_space<vmem>> -> memref<56x128xf32, #tpu.memory_space<vmem>>
        %dma_wait3A_632 = arith.constant 0 : i32
        %dma_wait3A_633 = tpu.memref_slice %arg5[%mul3A_2, %dma_wait3A_632] : memref<50176x128xf32, #tpu.memory_space<hbm>> -> memref<56x128xf32, #tpu.memory_space<hbm>>
        %dma_wait3A_634 = arith.constant 0 : i32
        %dma_wait3A_635 = tpu.memref_slice %arg5[%mul3A_2, %dma_wait3A_634] : memref<50176x128xf32, #tpu.memory_space<hbm>> -> memref<56x128xf32, #tpu.memory_space<hbm>>
        %dma_wait3A_636 = arith.constant 0 : i32
        %dma_wait3A_637 = arith.constant 0 : i32
        %dma_wait3A_638 = tpu.memref_slice %arg9[%dma_wait3A_627, %dma_wait3A_636, %dma_wait3A_637] : memref<2x56x128xf32, #tpu.memory_space<vmem>> -> memref<1x56x128xf32, #tpu.memory_space<vmem>>
        %dma_wait3A_639 = tpu.memref_squeeze %dma_wait3A_638 : memref<1x56x128xf32, #tpu.memory_space<vmem>> -> memref<56x128xf32, #tpu.memory_space<vmem>>
        tpu.wait_dma2 semaphore(%arg14 : memref<!tpu.dma_semaphore, #tpu.memory_space<semaphore_mem>>) src(%dma_wait3A_639 : memref<56x128xf32, #tpu.memory_space<vmem>>) dst(%dma_wait3A_635 : memref<56x128xf32, #tpu.memory_space<hbm>>)
        %dma_wait3A_640 = arith.constant 1 : i32
        %dma_wait3A_641 = arith.constant 0 : i32
        %dma_wait3A_642 = arith.constant 0 : i32
        %dma_wait3A_643 = tpu.memref_slice %arg10[%dma_wait3A_640, %dma_wait3A_641, %dma_wait3A_642] : memref<2x56x128xf32, #tpu.memory_space<vmem>> -> memref<1x56x128xf32, #tpu.memory_space<vmem>>
        %dma_wait3A_644 = tpu.memref_squeeze %dma_wait3A_643 : memref<1x56x128xf32, #tpu.memory_space<vmem>> -> memref<56x128xf32, #tpu.memory_space<vmem>>
        %dma_wait3A_645 = arith.constant 0 : i32
        %dma_wait3A_646 = tpu.memref_slice %arg6[%mul3A_2, %dma_wait3A_645] : memref<50176x128xf32, #tpu.memory_space<hbm>> -> memref<56x128xf32, #tpu.memory_space<hbm>>
        %dma_wait3A_647 = arith.constant 0 : i32
        %dma_wait3A_648 = tpu.memref_slice %arg6[%mul3A_2, %dma_wait3A_647] : memref<50176x128xf32, #tpu.memory_space<hbm>> -> memref<56x128xf32, #tpu.memory_space<hbm>>
        %dma_wait3A_649 = arith.constant 0 : i32
        %dma_wait3A_650 = arith.constant 0 : i32
        %dma_wait3A_651 = tpu.memref_slice %arg10[%dma_wait3A_640, %dma_wait3A_649, %dma_wait3A_650] : memref<2x56x128xf32, #tpu.memory_space<vmem>> -> memref<1x56x128xf32, #tpu.memory_space<vmem>>
        %dma_wait3A_652 = tpu.memref_squeeze %dma_wait3A_651 : memref<1x56x128xf32, #tpu.memory_space<vmem>> -> memref<56x128xf32, #tpu.memory_space<vmem>>
        tpu.wait_dma2 semaphore(%arg14 : memref<!tpu.dma_semaphore, #tpu.memory_space<semaphore_mem>>) src(%dma_wait3A_652 : memref<56x128xf32, #tpu.memory_space<vmem>>) dst(%dma_wait3A_648 : memref<56x128xf32, #tpu.memory_space<hbm>>)
        %scan3A_653 = arith.constant 0 : i32
        %scan3A_654 = arith.constant 0 : i32
        %scan3A_655 = arith.constant 56 : i32
        %scan3A_656 = arith.addi %scan3A_654, %scan3A_655 : i32
        %scan3A_657 = arith.constant 1 : i32
        scf.for %scan3A_782 = %scan3A_654 to %scan3A_656 step %scan3A_657  : i32 {
          %swap3A = arith.constant 1 : i32
          %swap3A_783 = arith.index_cast %swap3A : i32 to index
          %swap3A_784 = arith.index_cast %scan3A_782 : i32 to index
          %swap3A_785 = arith.constant 0 : index
          %swap3A_786 = tpu.vector_load %arg10[%swap3A_783, %swap3A_784, %swap3A_785] {strides = array<i32>} : memref<2x56x128xf32, #tpu.memory_space<vmem>>, vector<1x1x16xf32>,
          %swap3A_787 = vector.shape_cast %swap3A_786 : vector<1x1x16xf32> to vector<16xf32>
          %swap3A_788 = vector.shape_cast %broadcast_in_dim3A_23 : vector<16xf32> to vector<1x1x16xf32>
          tpu.vector_store %arg10[%swap3A_783, %swap3A_784, %swap3A_785], %swap3A_788 {strides = array<i32>} : memref<2x56x128xf32, #tpu.memory_space<vmem>>, vector<1x1x16xf32>,
          %swap3A_789 = arith.constant 1 : i32
          %swap3A_790 = arith.index_cast %swap3A_789 : i32 to index
          %swap3A_791 = arith.index_cast %scan3A_782 : i32 to index
          %swap3A_792 = arith.constant 16 : index
          %swap3A_793 = tpu.vector_load %arg10[%swap3A_790, %swap3A_791, %swap3A_792] {strides = array<i32>} : memref<2x56x128xf32, #tpu.memory_space<vmem>>, vector<1x1x16xf32>,
          %swap3A_794 = vector.shape_cast %swap3A_793 : vector<1x1x16xf32> to vector<16xf32>
          %swap3A_795 = vector.shape_cast %broadcast_in_dim3A_23 : vector<16xf32> to vector<1x1x16xf32>
          tpu.vector_store %arg10[%swap3A_790, %swap3A_791, %swap3A_792], %swap3A_795 {strides = array<i32>} : memref<2x56x128xf32, #tpu.memory_space<vmem>>, vector<1x1x16xf32>,
          %swap3A_796 = arith.constant 1 : i32
          %swap3A_797 = arith.index_cast %swap3A_796 : i32 to index
          %swap3A_798 = arith.index_cast %scan3A_782 : i32 to index
          %swap3A_799 = arith.constant 32 : index
          %swap3A_800 = tpu.vector_load %arg10[%swap3A_797, %swap3A_798, %swap3A_799] {strides = array<i32>} : memref<2x56x128xf32, #tpu.memory_space<vmem>>, vector<1x1x16xf32>,
          %swap3A_801 = vector.shape_cast %swap3A_800 : vector<1x1x16xf32> to vector<16xf32>
          %swap3A_802 = vector.shape_cast %broadcast_in_dim3A_23 : vector<16xf32> to vector<1x1x16xf32>
          tpu.vector_store %arg10[%swap3A_797, %swap3A_798, %swap3A_799], %swap3A_802 {strides = array<i32>} : memref<2x56x128xf32, #tpu.memory_space<vmem>>, vector<1x1x16xf32>,
          %swap3A_803 = arith.constant 1 : i32
          %swap3A_804 = arith.index_cast %swap3A_803 : i32 to index
          %swap3A_805 = arith.index_cast %scan3A_782 : i32 to index
          %swap3A_806 = arith.constant 48 : index
          %swap3A_807 = tpu.vector_load %arg10[%swap3A_804, %swap3A_805, %swap3A_806] {strides = array<i32>} : memref<2x56x128xf32, #tpu.memory_space<vmem>>, vector<1x1x16xf32>,
          %swap3A_808 = vector.shape_cast %swap3A_807 : vector<1x1x16xf32> to vector<16xf32>
          %swap3A_809 = vector.shape_cast %broadcast_in_dim3A_23 : vector<16xf32> to vector<1x1x16xf32>
          tpu.vector_store %arg10[%swap3A_804, %swap3A_805, %swap3A_806], %swap3A_809 {strides = array<i32>} : memref<2x56x128xf32, #tpu.memory_space<vmem>>, vector<1x1x16xf32>,
          %swap3A_810 = arith.constant 1 : i32
          %swap3A_811 = arith.index_cast %swap3A_810 : i32 to index
          %swap3A_812 = arith.index_cast %scan3A_782 : i32 to index
          %swap3A_813 = arith.constant 64 : index
          %swap3A_814 = tpu.vector_load %arg10[%swap3A_811, %swap3A_812, %swap3A_813] {strides = array<i32>} : memref<2x56x128xf32, #tpu.memory_space<vmem>>, vector<1x1x16xf32>,
          %swap3A_815 = vector.shape_cast %swap3A_814 : vector<1x1x16xf32> to vector<16xf32>
          %swap3A_816 = vector.shape_cast %broadcast_in_dim3A_23 : vector<16xf32> to vector<1x1x16xf32>
          tpu.vector_store %arg10[%swap3A_811, %swap3A_812, %swap3A_813], %swap3A_816 {strides = array<i32>} : memref<2x56x128xf32, #tpu.memory_space<vmem>>, vector<1x1x16xf32>,
          %swap3A_817 = arith.constant 1 : i32
          %swap3A_818 = arith.index_cast %swap3A_817 : i32 to index
          %swap3A_819 = arith.index_cast %scan3A_782 : i32 to index
          %swap3A_820 = arith.constant 80 : index
          %swap3A_821 = tpu.vector_load %arg10[%swap3A_818, %swap3A_819, %swap3A_820] {strides = array<i32>} : memref<2x56x128xf32, #tpu.memory_space<vmem>>, vector<1x1x16xf32>,
          %swap3A_822 = vector.shape_cast %swap3A_821 : vector<1x1x16xf32> to vector<16xf32>
          %swap3A_823 = vector.shape_cast %broadcast_in_dim3A_23 : vector<16xf32> to vector<1x1x16xf32>
          tpu.vector_store %arg10[%swap3A_818, %swap3A_819, %swap3A_820], %swap3A_823 {strides = array<i32>} : memref<2x56x128xf32, #tpu.memory_space<vmem>>, vector<1x1x16xf32>,
          %swap3A_824 = arith.constant 1 : i32
          %swap3A_825 = arith.index_cast %swap3A_824 : i32 to index
          %swap3A_826 = arith.index_cast %scan3A_782 : i32 to index
          %swap3A_827 = arith.constant 96 : index
          %swap3A_828 = tpu.vector_load %arg10[%swap3A_825, %swap3A_826, %swap3A_827] {strides = array<i32>} : memref<2x56x128xf32, #tpu.memory_space<vmem>>, vector<1x1x16xf32>,
          %swap3A_829 = vector.shape_cast %swap3A_828 : vector<1x1x16xf32> to vector<16xf32>
          %swap3A_830 = vector.shape_cast %broadcast_in_dim3A_23 : vector<16xf32> to vector<1x1x16xf32>
          tpu.vector_store %arg10[%swap3A_825, %swap3A_826, %swap3A_827], %swap3A_830 {strides = array<i32>} : memref<2x56x128xf32, #tpu.memory_space<vmem>>, vector<1x1x16xf32>,
          %swap3A_831 = arith.constant 1 : i32
          %swap3A_832 = arith.index_cast %swap3A_831 : i32 to index
          %swap3A_833 = arith.index_cast %scan3A_782 : i32 to index
          %swap3A_834 = arith.constant 112 : index
          %swap3A_835 = tpu.vector_load %arg10[%swap3A_832, %swap3A_833, %swap3A_834] {strides = array<i32>} : memref<2x56x128xf32, #tpu.memory_space<vmem>>, vector<1x1x16xf32>,
          %swap3A_836 = vector.shape_cast %swap3A_835 : vector<1x1x16xf32> to vector<16xf32>
          %swap3A_837 = vector.shape_cast %broadcast_in_dim3A_23 : vector<16xf32> to vector<1x1x16xf32>
          tpu.vector_store %arg10[%swap3A_832, %swap3A_833, %swap3A_834], %swap3A_837 {strides = array<i32>} : memref<2x56x128xf32, #tpu.memory_space<vmem>>, vector<1x1x16xf32>,
        }
        %scan3A_658 = arith.constant 56 : i32
        %add3A_659 = arith.constant 2 : i32
        %add3A_660 = arith.addi %add3A_471, %add3A_659 : i32
        %mul3A_661 = arith.constant 56 : i32
        %mul3A_662 = arith.muli %add3A_660, %mul3A_661 : i32
        %dma_start3A_663 = arith.constant 1 : i32
        %dma_start3A_664 = arith.constant 0 : i32
        %dma_start3A_665 = arith.constant 0 : i32
        %dma_start3A_666 = tpu.memref_slice %arg9[%dma_start3A_663, %dma_start3A_664, %dma_start3A_665] : memref<2x56x128xf32, #tpu.memory_space<vmem>> -> memref<1x56x128xf32, #tpu.memory_space<vmem>>
        %dma_start3A_667 = tpu.memref_squeeze %dma_start3A_666 : memref<1x56x128xf32, #tpu.memory_space<vmem>> -> memref<56x128xf32, #tpu.memory_space<vmem>>
        %dma_start3A_668 = tpu.memref_slice %arg7[%mul3A_662] : memref<1568xi32, #tpu.memory_space<vmem>> -> memref<56xi32, #tpu.memory_space<vmem>>
        %dma_start3A_669 = arith.constant 0 : i32
        %dma_start3A_670 = arith.constant 0 : i32
        %dma_start3A_671 = tpu.memref_slice %arg2[%dma_start3A_669, %dma_start3A_670] : memref<50000x128xf32, #tpu.memory_space<hbm>> -> memref<50000x128xf32, #tpu.memory_space<hbm>>
        tpu.enqueue_indirect_dma source(%dma_start3A_671 : memref<50000x128xf32, #tpu.memory_space<hbm>>) target(%dma_start3A_667 : memref<56x128xf32, #tpu.memory_space<vmem>>) offsets(%dma_start3A_668 : memref<56xi32, #tpu.memory_space<vmem>>) semaphore(%arg12 : memref<!tpu.dma_semaphore, #tpu.memory_space<semaphore_mem>>)
        %add3A_672 = arith.constant 0 : i32
        %add3A_673 = arith.addi %add3A_672, %mul3A_662 : i32
        %dma_start3A_674 = arith.constant 1 : i32
        %dma_start3A_675 = arith.constant 0 : i32
        %dma_start3A_676 = arith.constant 0 : i32
        %dma_start3A_677 = tpu.memref_slice %arg10[%dma_start3A_674, %dma_start3A_675, %dma_start3A_676] : memref<2x56x128xf32, #tpu.memory_space<vmem>> -> memref<1x56x128xf32, #tpu.memory_space<vmem>>
        %dma_start3A_678 = tpu.memref_squeeze %dma_start3A_677 : memref<1x56x128xf32, #tpu.memory_space<vmem>> -> memref<56x128xf32, #tpu.memory_space<vmem>>
        %dma_start3A_679 = tpu.memref_slice %arg8[%add3A_673] : memref<15680xi32, #tpu.memory_space<vmem>> -> memref<56xi32, #tpu.memory_space<vmem>>
        %dma_start3A_680 = arith.constant 0 : i32
        %dma_start3A_681 = arith.constant 0 : i32
        %dma_start3A_682 = tpu.memref_slice %arg2[%dma_start3A_680, %dma_start3A_681] : memref<50000x128xf32, #tpu.memory_space<hbm>> -> memref<50000x128xf32, #tpu.memory_space<hbm>>
        tpu.enqueue_indirect_dma source(%dma_start3A_682 : memref<50000x128xf32, #tpu.memory_space<hbm>>) target(%dma_start3A_678 : memref<56x128xf32, #tpu.memory_space<vmem>>) offsets(%dma_start3A_679 : memref<56xi32, #tpu.memory_space<vmem>>) semaphore(%arg12 : memref<!tpu.dma_semaphore, #tpu.memory_space<semaphore_mem>>) {add = true}
        %add3A_683 = arith.constant 1568 : i32
        %add3A_684 = arith.addi %add3A_683, %mul3A_662 : i32
        %dma_start3A_685 = arith.constant 1 : i32
        %dma_start3A_686 = arith.constant 0 : i32
        %dma_start3A_687 = arith.constant 0 : i32
        %dma_start3A_688 = tpu.memref_slice %arg10[%dma_start3A_685, %dma_start3A_686, %dma_start3A_687] : memref<2x56x128xf32, #tpu.memory_space<vmem>> -> memref<1x56x128xf32, #tpu.memory_space<vmem>>
        %dma_start3A_689 = tpu.memref_squeeze %dma_start3A_688 : memref<1x56x128xf32, #tpu.memory_space<vmem>> -> memref<56x128xf32, #tpu.memory_space<vmem>>
        %dma_start3A_690 = tpu.memref_slice %arg8[%add3A_684] : memref<15680xi32, #tpu.memory_space<vmem>> -> memref<56xi32, #tpu.memory_space<vmem>>
        %dma_start3A_691 = arith.constant 0 : i32
        %dma_start3A_692 = arith.constant 0 : i32
        %dma_start3A_693 = tpu.memref_slice %arg2[%dma_start3A_691, %dma_start3A_692] : memref<50000x128xf32, #tpu.memory_space<hbm>> -> memref<50000x128xf32, #tpu.memory_space<hbm>>
        tpu.enqueue_indirect_dma source(%dma_start3A_693 : memref<50000x128xf32, #tpu.memory_space<hbm>>) target(%dma_start3A_689 : memref<56x128xf32, #tpu.memory_space<vmem>>) offsets(%dma_start3A_690 : memref<56xi32, #tpu.memory_space<vmem>>) semaphore(%arg12 : memref<!tpu.dma_semaphore, #tpu.memory_space<semaphore_mem>>) {add = true}
        %add3A_694 = arith.constant 3136 : i32
        %add3A_695 = arith.addi %add3A_694, %mul3A_662 : i32
        %dma_start3A_696 = arith.constant 1 : i32
        %dma_start3A_697 = arith.constant 0 : i32
        %dma_start3A_698 = arith.constant 0 : i32
        %dma_start3A_699 = tpu.memref_slice %arg10[%dma_start3A_696, %dma_start3A_697, %dma_start3A_698] : memref<2x56x128xf32, #tpu.memory_space<vmem>> -> memref<1x56x128xf32, #tpu.memory_space<vmem>>
        %dma_start3A_700 = tpu.memref_squeeze %dma_start3A_699 : memref<1x56x128xf32, #tpu.memory_space<vmem>> -> memref<56x128xf32, #tpu.memory_space<vmem>>
        %dma_start3A_701 = tpu.memref_slice %arg8[%add3A_695] : memref<15680xi32, #tpu.memory_space<vmem>> -> memref<56xi32, #tpu.memory_space<vmem>>
        %dma_start3A_702 = arith.constant 0 : i32
        %dma_start3A_703 = arith.constant 0 : i32
        %dma_start3A_704 = tpu.memref_slice %arg2[%dma_start3A_702, %dma_start3A_703] : memref<50000x128xf32, #tpu.memory_space<hbm>> -> memref<50000x128xf32, #tpu.memory_space<hbm>>
        tpu.enqueue_indirect_dma source(%dma_start3A_704 : memref<50000x128xf32, #tpu.memory_space<hbm>>) target(%dma_start3A_700 : memref<56x128xf32, #tpu.memory_space<vmem>>) offsets(%dma_start3A_701 : memref<56xi32, #tpu.memory_space<vmem>>) semaphore(%arg12 : memref<!tpu.dma_semaphore, #tpu.memory_space<semaphore_mem>>) {add = true}
        %add3A_705 = arith.constant 4704 : i32
        %add3A_706 = arith.addi %add3A_705, %mul3A_662 : i32
        %dma_start3A_707 = arith.constant 1 : i32
        %dma_start3A_708 = arith.constant 0 : i32
        %dma_start3A_709 = arith.constant 0 : i32
        %dma_start3A_710 = tpu.memref_slice %arg10[%dma_start3A_707, %dma_start3A_708, %dma_start3A_709] : memref<2x56x128xf32, #tpu.memory_space<vmem>> -> memref<1x56x128xf32, #tpu.memory_space<vmem>>
        %dma_start3A_711 = tpu.memref_squeeze %dma_start3A_710 : memref<1x56x128xf32, #tpu.memory_space<vmem>> -> memref<56x128xf32, #tpu.memory_space<vmem>>
        %dma_start3A_712 = tpu.memref_slice %arg8[%add3A_706] : memref<15680xi32, #tpu.memory_space<vmem>> -> memref<56xi32, #tpu.memory_space<vmem>>
        %dma_start3A_713 = arith.constant 0 : i32
        %dma_start3A_714 = arith.constant 0 : i32
        %dma_start3A_715 = tpu.memref_slice %arg2[%dma_start3A_713, %dma_start3A_714] : memref<50000x128xf32, #tpu.memory_space<hbm>> -> memref<50000x128xf32, #tpu.memory_space<hbm>>
        tpu.enqueue_indirect_dma source(%dma_start3A_715 : memref<50000x128xf32, #tpu.memory_space<hbm>>) target(%dma_start3A_711 : memref<56x128xf32, #tpu.memory_space<vmem>>) offsets(%dma_start3A_712 : memref<56xi32, #tpu.memory_space<vmem>>) semaphore(%arg12 : memref<!tpu.dma_semaphore, #tpu.memory_space<semaphore_mem>>) {add = true}
        %add3A_716 = arith.constant 6272 : i32
        %add3A_717 = arith.addi %add3A_716, %mul3A_662 : i32
        %dma_start3A_718 = arith.constant 1 : i32
        %dma_start3A_719 = arith.constant 0 : i32
        %dma_start3A_720 = arith.constant 0 : i32
        %dma_start3A_721 = tpu.memref_slice %arg10[%dma_start3A_718, %dma_start3A_719, %dma_start3A_720] : memref<2x56x128xf32, #tpu.memory_space<vmem>> -> memref<1x56x128xf32, #tpu.memory_space<vmem>>
        %dma_start3A_722 = tpu.memref_squeeze %dma_start3A_721 : memref<1x56x128xf32, #tpu.memory_space<vmem>> -> memref<56x128xf32, #tpu.memory_space<vmem>>
        %dma_start3A_723 = tpu.memref_slice %arg8[%add3A_717] : memref<15680xi32, #tpu.memory_space<vmem>> -> memref<56xi32, #tpu.memory_space<vmem>>
        %dma_start3A_724 = arith.constant 0 : i32
        %dma_start3A_725 = arith.constant 0 : i32
        %dma_start3A_726 = tpu.memref_slice %arg2[%dma_start3A_724, %dma_start3A_725] : memref<50000x128xf32, #tpu.memory_space<hbm>> -> memref<50000x128xf32, #tpu.memory_space<hbm>>
        tpu.enqueue_indirect_dma source(%dma_start3A_726 : memref<50000x128xf32, #tpu.memory_space<hbm>>) target(%dma_start3A_722 : memref<56x128xf32, #tpu.memory_space<vmem>>) offsets(%dma_start3A_723 : memref<56xi32, #tpu.memory_space<vmem>>) semaphore(%arg12 : memref<!tpu.dma_semaphore, #tpu.memory_space<semaphore_mem>>) {add = true}
        %add3A_727 = arith.constant 7840 : i32
        %add3A_728 = arith.addi %add3A_727, %mul3A_662 : i32
        %dma_start3A_729 = arith.constant 1 : i32
        %dma_start3A_730 = arith.constant 0 : i32
        %dma_start3A_731 = arith.constant 0 : i32
        %dma_start3A_732 = tpu.memref_slice %arg10[%dma_start3A_729, %dma_start3A_730, %dma_start3A_731] : memref<2x56x128xf32, #tpu.memory_space<vmem>> -> memref<1x56x128xf32, #tpu.memory_space<vmem>>
        %dma_start3A_733 = tpu.memref_squeeze %dma_start3A_732 : memref<1x56x128xf32, #tpu.memory_space<vmem>> -> memref<56x128xf32, #tpu.memory_space<vmem>>
        %dma_start3A_734 = tpu.memref_slice %arg8[%add3A_728] : memref<15680xi32, #tpu.memory_space<vmem>> -> memref<56xi32, #tpu.memory_space<vmem>>
        %dma_start3A_735 = arith.constant 0 : i32
        %dma_start3A_736 = arith.constant 0 : i32
        %dma_start3A_737 = tpu.memref_slice %arg2[%dma_start3A_735, %dma_start3A_736] : memref<50000x128xf32, #tpu.memory_space<hbm>> -> memref<50000x128xf32, #tpu.memory_space<hbm>>
        tpu.enqueue_indirect_dma source(%dma_start3A_737 : memref<50000x128xf32, #tpu.memory_space<hbm>>) target(%dma_start3A_733 : memref<56x128xf32, #tpu.memory_space<vmem>>) offsets(%dma_start3A_734 : memref<56xi32, #tpu.memory_space<vmem>>) semaphore(%arg12 : memref<!tpu.dma_semaphore, #tpu.memory_space<semaphore_mem>>) {add = true}
        %add3A_738 = arith.constant 9408 : i32
        %add3A_739 = arith.addi %add3A_738, %mul3A_662 : i32
        %dma_start3A_740 = arith.constant 1 : i32
        %dma_start3A_741 = arith.constant 0 : i32
        %dma_start3A_742 = arith.constant 0 : i32
        %dma_start3A_743 = tpu.memref_slice %arg10[%dma_start3A_740, %dma_start3A_741, %dma_start3A_742] : memref<2x56x128xf32, #tpu.memory_space<vmem>> -> memref<1x56x128xf32, #tpu.memory_space<vmem>>
        %dma_start3A_744 = tpu.memref_squeeze %dma_start3A_743 : memref<1x56x128xf32, #tpu.memory_space<vmem>> -> memref<56x128xf32, #tpu.memory_space<vmem>>
        %dma_start3A_745 = tpu.memref_slice %arg8[%add3A_739] : memref<15680xi32, #tpu.memory_space<vmem>> -> memref<56xi32, #tpu.memory_space<vmem>>
        %dma_start3A_746 = arith.constant 0 : i32
        %dma_start3A_747 = arith.constant 0 : i32
        %dma_start3A_748 = tpu.memref_slice %arg2[%dma_start3A_746, %dma_start3A_747] : memref<50000x128xf32, #tpu.memory_space<hbm>> -> memref<50000x128xf32, #tpu.memory_space<hbm>>
        tpu.enqueue_indirect_dma source(%dma_start3A_748 : memref<50000x128xf32, #tpu.memory_space<hbm>>) target(%dma_start3A_744 : memref<56x128xf32, #tpu.memory_space<vmem>>) offsets(%dma_start3A_745 : memref<56xi32, #tpu.memory_space<vmem>>) semaphore(%arg12 : memref<!tpu.dma_semaphore, #tpu.memory_space<semaphore_mem>>) {add = true}
        %add3A_749 = arith.constant 10976 : i32
        %add3A_750 = arith.addi %add3A_749, %mul3A_662 : i32
        %dma_start3A_751 = arith.constant 1 : i32
        %dma_start3A_752 = arith.constant 0 : i32
        %dma_start3A_753 = arith.constant 0 : i32
        %dma_start3A_754 = tpu.memref_slice %arg10[%dma_start3A_751, %dma_start3A_752, %dma_start3A_753] : memref<2x56x128xf32, #tpu.memory_space<vmem>> -> memref<1x56x128xf32, #tpu.memory_space<vmem>>
        %dma_start3A_755 = tpu.memref_squeeze %dma_start3A_754 : memref<1x56x128xf32, #tpu.memory_space<vmem>> -> memref<56x128xf32, #tpu.memory_space<vmem>>
        %dma_start3A_756 = tpu.memref_slice %arg8[%add3A_750] : memref<15680xi32, #tpu.memory_space<vmem>> -> memref<56xi32, #tpu.memory_space<vmem>>
        %dma_start3A_757 = arith.constant 0 : i32
        %dma_start3A_758 = arith.constant 0 : i32
        %dma_start3A_759 = tpu.memref_slice %arg2[%dma_start3A_757, %dma_start3A_758] : memref<50000x128xf32, #tpu.memory_space<hbm>> -> memref<50000x128xf32, #tpu.memory_space<hbm>>
        tpu.enqueue_indirect_dma source(%dma_start3A_759 : memref<50000x128xf32, #tpu.memory_space<hbm>>) target(%dma_start3A_755 : memref<56x128xf32, #tpu.memory_space<vmem>>) offsets(%dma_start3A_756 : memref<56xi32, #tpu.memory_space<vmem>>) semaphore(%arg12 : memref<!tpu.dma_semaphore, #tpu.memory_space<semaphore_mem>>) {add = true}
        %add3A_760 = arith.constant 12544 : i32
        %add3A_761 = arith.addi %add3A_760, %mul3A_662 : i32
        %dma_start3A_762 = arith.constant 1 : i32
        %dma_start3A_763 = arith.constant 0 : i32
        %dma_start3A_764 = arith.constant 0 : i32
        %dma_start3A_765 = tpu.memref_slice %arg10[%dma_start3A_762, %dma_start3A_763, %dma_start3A_764] : memref<2x56x128xf32, #tpu.memory_space<vmem>> -> memref<1x56x128xf32, #tpu.memory_space<vmem>>
        %dma_start3A_766 = tpu.memref_squeeze %dma_start3A_765 : memref<1x56x128xf32, #tpu.memory_space<vmem>> -> memref<56x128xf32, #tpu.memory_space<vmem>>
        %dma_start3A_767 = tpu.memref_slice %arg8[%add3A_761] : memref<15680xi32, #tpu.memory_space<vmem>> -> memref<56xi32, #tpu.memory_space<vmem>>
        %dma_start3A_768 = arith.constant 0 : i32
        %dma_start3A_769 = arith.constant 0 : i32
        %dma_start3A_770 = tpu.memref_slice %arg2[%dma_start3A_768, %dma_start3A_769] : memref<50000x128xf32, #tpu.memory_space<hbm>> -> memref<50000x128xf32, #tpu.memory_space<hbm>>
        tpu.enqueue_indirect_dma source(%dma_start3A_770 : memref<50000x128xf32, #tpu.memory_space<hbm>>) target(%dma_start3A_766 : memref<56x128xf32, #tpu.memory_space<vmem>>) offsets(%dma_start3A_767 : memref<56xi32, #tpu.memory_space<vmem>>) semaphore(%arg12 : memref<!tpu.dma_semaphore, #tpu.memory_space<semaphore_mem>>) {add = true}
        %add3A_771 = arith.constant 14112 : i32
        %add3A_772 = arith.addi %add3A_771, %mul3A_662 : i32
        %dma_start3A_773 = arith.constant 1 : i32
        %dma_start3A_774 = arith.constant 0 : i32
        %dma_start3A_775 = arith.constant 0 : i32
        %dma_start3A_776 = tpu.memref_slice %arg10[%dma_start3A_773, %dma_start3A_774, %dma_start3A_775] : memref<2x56x128xf32, #tpu.memory_space<vmem>> -> memref<1x56x128xf32, #tpu.memory_space<vmem>>
        %dma_start3A_777 = tpu.memref_squeeze %dma_start3A_776 : memref<1x56x128xf32, #tpu.memory_space<vmem>> -> memref<56x128xf32, #tpu.memory_space<vmem>>
        %dma_start3A_778 = tpu.memref_slice %arg8[%add3A_772] : memref<15680xi32, #tpu.memory_space<vmem>> -> memref<56xi32, #tpu.memory_space<vmem>>
        %dma_start3A_779 = arith.constant 0 : i32
        %dma_start3A_780 = arith.constant 0 : i32
        %dma_start3A_781 = tpu.memref_slice %arg2[%dma_start3A_779, %dma_start3A_780] : memref<50000x128xf32, #tpu.memory_space<hbm>> -> memref<50000x128xf32, #tpu.memory_space<hbm>>
        tpu.enqueue_indirect_dma source(%dma_start3A_781 : memref<50000x128xf32, #tpu.memory_space<hbm>>) target(%dma_start3A_777 : memref<56x128xf32, #tpu.memory_space<vmem>>) offsets(%dma_start3A_778 : memref<56xi32, #tpu.memory_space<vmem>>) semaphore(%arg12 : memref<!tpu.dma_semaphore, #tpu.memory_space<semaphore_mem>>) {add = true}
      } else {
      }
    }
    %scan3A_259 = arith.constant 14 : i32
    %dma_wait3A = arith.constant 0 : i32
    %dma_wait3A_260 = arith.constant 0 : i32
    %dma_wait3A_261 = arith.constant 0 : i32
    %dma_wait3A_262 = tpu.memref_slice %arg9[%dma_wait3A, %dma_wait3A_260, %dma_wait3A_261] : memref<2x56x128xf32, #tpu.memory_space<vmem>> -> memref<1x56x128xf32, #tpu.memory_space<vmem>>
    %dma_wait3A_263 = tpu.memref_squeeze %dma_wait3A_262 : memref<1x56x128xf32, #tpu.memory_space<vmem>> -> memref<56x128xf32, #tpu.memory_space<vmem>>
    %dma_wait3A_264 = arith.constant 0 : i32
    %dma_wait3A_265 = tpu.memref_slice %arg5[%mul3A_2, %dma_wait3A_264] : memref<50176x128xf32, #tpu.memory_space<hbm>> -> memref<56x128xf32, #tpu.memory_space<hbm>>
    %dma_wait3A_266 = arith.constant 0 : i32
    %dma_wait3A_267 = tpu.memref_slice %arg5[%mul3A_2, %dma_wait3A_266] : memref<50176x128xf32, #tpu.memory_space<hbm>> -> memref<56x128xf32, #tpu.memory_space<hbm>>
    %dma_wait3A_268 = arith.constant 0 : i32
    %dma_wait3A_269 = arith.constant 0 : i32
    %dma_wait3A_270 = tpu.memref_slice %arg9[%dma_wait3A, %dma_wait3A_268, %dma_wait3A_269] : memref<2x56x128xf32, #tpu.memory_space<vmem>> -> memref<1x56x128xf32, #tpu.memory_space<vmem>>
    %dma_wait3A_271 = tpu.memref_squeeze %dma_wait3A_270 : memref<1x56x128xf32, #tpu.memory_space<vmem>> -> memref<56x128xf32, #tpu.memory_space<vmem>>
    tpu.wait_dma2 semaphore(%arg13 : memref<!tpu.dma_semaphore, #tpu.memory_space<semaphore_mem>>) src(%dma_wait3A_271 : memref<56x128xf32, #tpu.memory_space<vmem>>) dst(%dma_wait3A_267 : memref<56x128xf32, #tpu.memory_space<hbm>>)
    %dma_wait3A_272 = arith.constant 0 : i32
    %dma_wait3A_273 = arith.constant 0 : i32
    %dma_wait3A_274 = arith.constant 0 : i32
    %dma_wait3A_275 = tpu.memref_slice %arg10[%dma_wait3A_272, %dma_wait3A_273, %dma_wait3A_274] : memref<2x56x128xf32, #tpu.memory_space<vmem>> -> memref<1x56x128xf32, #tpu.memory_space<vmem>>
    %dma_wait3A_276 = tpu.memref_squeeze %dma_wait3A_275 : memref<1x56x128xf32, #tpu.memory_space<vmem>> -> memref<56x128xf32, #tpu.memory_space<vmem>>
    %dma_wait3A_277 = arith.constant 0 : i32
    %dma_wait3A_278 = tpu.memref_slice %arg6[%mul3A_2, %dma_wait3A_277] : memref<50176x128xf32, #tpu.memory_space<hbm>> -> memref<56x128xf32, #tpu.memory_space<hbm>>
    %dma_wait3A_279 = arith.constant 0 : i32
    %dma_wait3A_280 = tpu.memref_slice %arg6[%mul3A_2, %dma_wait3A_279] : memref<50176x128xf32, #tpu.memory_space<hbm>> -> memref<56x128xf32, #tpu.memory_space<hbm>>
    %dma_wait3A_281 = arith.constant 0 : i32
    %dma_wait3A_282 = arith.constant 0 : i32
    %dma_wait3A_283 = tpu.memref_slice %arg10[%dma_wait3A_272, %dma_wait3A_281, %dma_wait3A_282] : memref<2x56x128xf32, #tpu.memory_space<vmem>> -> memref<1x56x128xf32, #tpu.memory_space<vmem>>
    %dma_wait3A_284 = tpu.memref_squeeze %dma_wait3A_283 : memref<1x56x128xf32, #tpu.memory_space<vmem>> -> memref<56x128xf32, #tpu.memory_space<vmem>>
    tpu.wait_dma2 semaphore(%arg13 : memref<!tpu.dma_semaphore, #tpu.memory_space<semaphore_mem>>) src(%dma_wait3A_284 : memref<56x128xf32, #tpu.memory_space<vmem>>) dst(%dma_wait3A_280 : memref<56x128xf32, #tpu.memory_space<hbm>>)
    %dma_wait3A_285 = arith.constant 1 : i32
    %dma_wait3A_286 = arith.constant 0 : i32
    %dma_wait3A_287 = arith.constant 0 : i32
    %dma_wait3A_288 = tpu.memref_slice %arg9[%dma_wait3A_285, %dma_wait3A_286, %dma_wait3A_287] : memref<2x56x128xf32, #tpu.memory_space<vmem>> -> memref<1x56x128xf32, #tpu.memory_space<vmem>>
    %dma_wait3A_289 = tpu.memref_squeeze %dma_wait3A_288 : memref<1x56x128xf32, #tpu.memory_space<vmem>> -> memref<56x128xf32, #tpu.memory_space<vmem>>
    %dma_wait3A_290 = arith.constant 0 : i32
    %dma_wait3A_291 = tpu.memref_slice %arg5[%mul3A_2, %dma_wait3A_290] : memref<50176x128xf32, #tpu.memory_space<hbm>> -> memref<56x128xf32, #tpu.memory_space<hbm>>
    %dma_wait3A_292 = arith.constant 0 : i32
    %dma_wait3A_293 = tpu.memref_slice %arg5[%mul3A_2, %dma_wait3A_292] : memref<50176x128xf32, #tpu.memory_space<hbm>> -> memref<56x128xf32, #tpu.memory_space<hbm>>
    %dma_wait3A_294 = arith.constant 0 : i32
    %dma_wait3A_295 = arith.constant 0 : i32
    %dma_wait3A_296 = tpu.memref_slice %arg9[%dma_wait3A_285, %dma_wait3A_294, %dma_wait3A_295] : memref<2x56x128xf32, #tpu.memory_space<vmem>> -> memref<1x56x128xf32, #tpu.memory_space<vmem>>
    %dma_wait3A_297 = tpu.memref_squeeze %dma_wait3A_296 : memref<1x56x128xf32, #tpu.memory_space<vmem>> -> memref<56x128xf32, #tpu.memory_space<vmem>>
    tpu.wait_dma2 semaphore(%arg14 : memref<!tpu.dma_semaphore, #tpu.memory_space<semaphore_mem>>) src(%dma_wait3A_297 : memref<56x128xf32, #tpu.memory_space<vmem>>) dst(%dma_wait3A_293 : memref<56x128xf32, #tpu.memory_space<hbm>>)
    %dma_wait3A_298 = arith.constant 1 : i32
    %dma_wait3A_299 = arith.constant 0 : i32
    %dma_wait3A_300 = arith.constant 0 : i32
    %dma_wait3A_301 = tpu.memref_slice %arg10[%dma_wait3A_298, %dma_wait3A_299, %dma_wait3A_300] : memref<2x56x128xf32, #tpu.memory_space<vmem>> -> memref<1x56x128xf32, #tpu.memory_space<vmem>>
    %dma_wait3A_302 = tpu.memref_squeeze %dma_wait3A_301 : memref<1x56x128xf32, #tpu.memory_space<vmem>> -> memref<56x128xf32, #tpu.memory_space<vmem>>
    %dma_wait3A_303 = arith.constant 0 : i32
    %dma_wait3A_304 = tpu.memref_slice %arg6[%mul3A_2, %dma_wait3A_303] : memref<50176x128xf32, #tpu.memory_space<hbm>> -> memref<56x128xf32, #tpu.memory_space<hbm>>
    %dma_wait3A_305 = arith.constant 0 : i32
    %dma_wait3A_306 = tpu.memref_slice %arg6[%mul3A_2, %dma_wait3A_305] : memref<50176x128xf32, #tpu.memory_space<hbm>> -> memref<56x128xf32, #tpu.memory_space<hbm>>
    %dma_wait3A_307 = arith.constant 0 : i32
    %dma_wait3A_308 = arith.constant 0 : i32
    %dma_wait3A_309 = tpu.memref_slice %arg10[%dma_wait3A_298, %dma_wait3A_307, %dma_wait3A_308] : memref<2x56x128xf32, #tpu.memory_space<vmem>> -> memref<1x56x128xf32, #tpu.memory_space<vmem>>
    %dma_wait3A_310 = tpu.memref_squeeze %dma_wait3A_309 : memref<1x56x128xf32, #tpu.memory_space<vmem>> -> memref<56x128xf32, #tpu.memory_space<vmem>>
    tpu.wait_dma2 semaphore(%arg14 : memref<!tpu.dma_semaphore, #tpu.memory_space<semaphore_mem>>) src(%dma_wait3A_310 : memref<56x128xf32, #tpu.memory_space<vmem>>) dst(%dma_wait3A_306 : memref<56x128xf32, #tpu.memory_space<hbm>>)
    return
  }
}

module attributes {stable_mosaic.version = 14 : i64} {
  func.func @_mm_body(%arg0: i32, %arg1: memref<1024x128xf32, #tpu.memory_space<vmem>>, %arg2: memref<1024x128xf32, #tpu.memory_space<vmem>>, %arg3: memref<128x128xf32, #tpu.memory_space<vmem>>, %arg4: memref<128x128xf32, #tpu.memory_space<vmem>>, %arg5: memref<128x1024xf32, #tpu.memory_space<vmem>>) attributes {dimension_semantics = [#tpu.dimension_semantics<arbitrary>], iteration_bounds = array<i64: 49>, scalar_prefetch = 0 : i64, scratch_operands = 0 : i64, tpu.core_type = #tpu.core_type<tc>, window_params = [{transform_indices = @transform_0, window_bounds = array<i64: 1024, 128>}, {transform_indices = @transform_1, window_bounds = array<i64: 1024, 128>}, {pipeline_mode = #tpu.pipeline_mode<synchronous>, transform_indices = @transform_2, window_bounds = array<i64: 128, 128>}, {pipeline_mode = #tpu.pipeline_mode<synchronous>, transform_indices = @transform_3, window_bounds = array<i64: 128, 128>}, {transform_indices = @transform_4, window_bounds = array<i64: 128, 1024>}]} {
    %get3A = arith.constant 0 : index
    %get3A_0 = arith.constant 0 : index
    %get3A_1 = vector.load %arg3[%get3A, %get3A_0] : memref<128x128xf32, #tpu.memory_space<vmem>>, vector<128x128xf32>
    %get3A_2 = arith.constant 0 : index
    %get3A_3 = arith.constant 0 : index
    %get3A_4 = vector.load %arg1[%get3A_2, %get3A_3] : memref<1024x128xf32, #tpu.memory_space<vmem>>, vector<1024x128xf32>
    %dot_general3A = arith.constant dense<0.000000e+00> : vector<128x1024xf32>
    %dot_general3A_5 = tpu.matmul %get3A_1, %get3A_4, %dot_general3A {dimension_numbers = #tpu.dot_dimension_numbers<[1], [1], [0], [0], [0, 0, 1, 0], [], []>, transpose_lhs_hint = false} : vector<128x128xf32>, vector<1024x128xf32>, vector<128x1024xf32> -> vector<128x1024xf32>
    %get3A_6 = arith.constant 0 : index
    %get3A_7 = arith.constant 0 : index
    %get3A_8 = vector.load %arg4[%get3A_6, %get3A_7] : memref<128x128xf32, #tpu.memory_space<vmem>>, vector<128x128xf32>
    %get3A_9 = arith.constant 0 : index
    %get3A_10 = arith.constant 0 : index
    %get3A_11 = vector.load %arg2[%get3A_9, %get3A_10] : memref<1024x128xf32, #tpu.memory_space<vmem>>, vector<1024x128xf32>
    %dot_general3A_12 = arith.constant dense<0.000000e+00> : vector<128x1024xf32>
    %dot_general3A_13 = tpu.matmul %get3A_8, %get3A_11, %dot_general3A_12 {dimension_numbers = #tpu.dot_dimension_numbers<[1], [1], [0], [0], [0, 0, 1, 0], [], []>, transpose_lhs_hint = false} : vector<128x128xf32>, vector<1024x128xf32>, vector<128x1024xf32> -> vector<128x1024xf32>
    %add3A = arith.addf %dot_general3A_5, %dot_general3A_13 : vector<128x1024xf32>
    %max3A = arith.constant 0.000000e+00 : f32
    %max3A_14 = vector.broadcast %max3A : f32 to vector<128x1024xf32>
    %max3A_15 = arith.maximumf %add3A, %max3A_14 : vector<128x1024xf32>
    %swap3A = arith.constant 0 : index
    %swap3A_16 = arith.constant 0 : index
    %swap3A_17 = vector.load %arg5[%swap3A, %swap3A_16] : memref<128x1024xf32, #tpu.memory_space<vmem>>, vector<128x1024xf32>
    tpu.vector_store %arg5[%swap3A, %swap3A_16], %max3A_15 {strides = array<i32>} : memref<128x1024xf32, #tpu.memory_space<vmem>>, vector<128x1024xf32>,
    return
  }
  func.func @transform_0(%arg0: i32) -> (i32, i32) {
    %c0_i32 = arith.constant 0 : i32
    %c0_i32_0 = arith.constant 0 : i32
    return %arg0, %c0_i32 : i32, i32
  }
  func.func @transform_1(%arg0: i32) -> (i32, i32) {
    %c0_i32 = arith.constant 0 : i32
    %c0_i32_0 = arith.constant 0 : i32
    return %arg0, %c0_i32 : i32, i32
  }
  func.func @transform_2(%arg0: i32) -> (i32, i32) {
    %c0_i32 = arith.constant 0 : i32
    %c0_i32_0 = arith.constant 0 : i32
    %c0_i32_1 = arith.constant 0 : i32
    return %c0_i32, %c0_i32_0 : i32, i32
  }
  func.func @transform_3(%arg0: i32) -> (i32, i32) {
    %c0_i32 = arith.constant 0 : i32
    %c0_i32_0 = arith.constant 0 : i32
    %c0_i32_1 = arith.constant 0 : i32
    return %c0_i32, %c0_i32_0 : i32, i32
  }
  func.func @transform_4(%arg0: i32) -> (i32, i32) {
    %c0_i32 = arith.constant 0 : i32
    %c0_i32_0 = arith.constant 0 : i32
    return %c0_i32, %arg0 : i32, i32
  }
}

</mosaic_0001>

<sc_bundles>
// kernel: kernel.4.cloned.1.call-start
scs
__scs_entry_jumppad:
0x0: {  	(pc) =	sbr.rel $0x88, $3  }
0x1: {  	(tag) =	ssettag $0x0;
	lr =	simm.s32 $0x1  }
0x2: {  	[smem:$0x3F9D] =	sst lr;
	_ =	strace $0xD0000000  }
0x3: {  	_ = 	snop  }
0x4: {  	_ = 	snop  }
0x5: {  	_ = 	snop  }
0x6: {  	_ = 	snop  }
0x7: {  	_ = 	snop  }
__scs_overlays_trampoline_lowered:
0x8: {  	[smem:$0x3FAC] =	sst s0  }
0x9: {  	[smem:$0x3FAD] =	sst s1  }
0xa: {  	[smem:$0x3FAE] =	sst s2  }
0xb: {  	[smem:$0x3FAF] =	sst s3  }
0xc: {  	[smem:$0x3FB0] =	sst s4  }
0xd: {  	[smem:$0x3FB1] =	sst s5  }
0xe: {  	[smem:$0x3FB2] =	sst s6  }
0xf: {  	[smem:$0x3FB3] =	sst s7  }
0x10: {  	[smem:$0x3FB4] =	sst s8  }
0x11: {  	[smem:$0x3FB5] =	sst s9;
	s0 =	simm.s32 @!p0 $0x0  }
0x12: {  	s1 =	sld [smem:$0x3F9B];
	s0 =	simm.s32 @p0 $0x1  }
0x13: {  	[smem:$0x3FB6] =	sst s0;
	s0 =	simm.s32 @!p1 $0x0  }
0x14: {  	s2 =	sld [smem:$0x3F9A];
	s0 =	simm.s32 @p1 $0x1  }
0x15: {  	[smem:$0x3FB7] =	sst s0;
	s0 =	simm.s32 @!p2 $0x0  }
0x16: {  	s3 =	sld [smem:$0x3FDB];
	s0 =	simm.s32 @p2 $0x1  }
0x17: {  	s4 =	simm.s32 $0x1BF5;
	[smem:$0x3FB9] =	sst s0  }
0x18: {  	s0 =	sld [smem:$0x3F9C];
	_ =	swait.ge [sflag:s4], $0x0  }
0x19: {  	s7 =	sld [smem:$0x3F9D]  }
0x1a: {  	s8 =	sadd.s32 $0xFFFFE003, lr  }
0x1b: {  	s9 =	sadd.s32 $0xFFFFFEF7, lr;
	s5 =	simm.s32 $0xFFFFFFFF;
	p2 =	slt.u32 s8, $0xFFFFF086  }
0x1c: {  	p1 =	slt.u32 s9, $0xF7A;
	s5 =	simm.s32 @!p2 $0x0  }
0x1d: {  	s5 =	simm.s32 @p1 $0x1;
	p0 =	seq.s32 s7, s2  }
0x1e: {  	s7 =	smul.u32 @!p0 $0xF7A, s2;
	p2 =	seq.s32 @!p0 s5, $0x0  }
0x1f: {  	s9 =	smul.u32 $0xF7A, s1;
	s8 =	simm.s32 @!p0 $0x1BF5;
	p2 =	por !p2, p0  }
0x20: {  	[sflag:s8] =	ssyncset.s32 @!p0 $0xFFFFF086;
	s6 =	sadd.s32 @!p0 s3, s7;
	s7 =	simm.s32 @!p0 $0x108  }
0x21: {  	s3 =	sadd.s32 s3, s9;
	s6 =	sadd.s32 @!p0 $0x88, s6;
	s7 =	simm.s32 @p2 $0x1082  }
0x22: {  	[simem:s7], [sflag:s8] =	dma.local @!p0 [hbm:s6], $0xF7A  }
0x23: {  	s9 =	sor.u32 $0xD0000000, s2;
	s6 =	simm.s32 $0x108;
	_ =	swait.ge @!p0 [sflag:s8], $0x0  }
0x24: {  	s3 =	sadd.s32 $0x88, s3;
	s6 =	simm.s32 @!p1 $0x1082;
	[sflag:s4] =	ssyncset.s32 $0xFFFFF086  }
0x25: {  	[simem:s6], [sflag:s4] =	dma.local [hbm:s3], $0xF7A  }
0x26: {  	[smem:$0x3F9D] =	sst s1;
	(tag) =	ssettag s2;
	_ =	strace s9  }
0x27: {  	s1 =	sld [smem:$0x3FAD]  }
0x28: {  	s2 =	sld [smem:$0x3FAE]  }
0x29: {  	s4 =	sld [smem:$0x3FB0]  }
0x2a: {  	p0 =	seq.s32 s5, $0x0;
	s5 =	sld [smem:$0x3FB1]  }
0x2b: {  	s6 =	sld [smem:$0x3FB2]  }
0x2c: {  	s7 =	sld [smem:$0x3FB3]  }
0x2d: {  	s3 =	simm.s32 $0x108;
	s8 =	sld [smem:$0x3FB4]  }
0x2e: {  	s3 =	simm.s32 @!p0 $0x1082;
	s9 =	sld [smem:$0x3FB5]  }
0x2f: {  	lr =	sadd.s32 s0, s3;
	s0 =	sld [smem:$0x3FAC]  }
0x30: {  	s3 =	sld [smem:$0x3FAF]  }
0x31: {  	[smem:$0x3FB8] =	sst s10  }
0x32: {  	s10 =	sld [smem:$0x3FB6];
	_ =	sdelay $0x3  }
0x33: {  	p0 =	seq.s32 s10, $0x1;
	s10 =	sld [smem:$0x3FB8];
	_ =	sdelay $0x3  }
0x34: {  	[smem:$0x3FB8] =	sst s10  }
0x35: {  	s10 =	sld [smem:$0x3FB7];
	_ =	sdelay $0x3  }
0x36: {  	p1 =	seq.s32 s10, $0x1;
	s10 =	sld [smem:$0x3FB8];
	_ =	sdelay $0x3  }
0x37: {  	[smem:$0x3FB8] =	sst s10  }
0x38: {  	s10 =	sld [smem:$0x3FB9]  }
0x39: {  	_ = 	snop;
	(pc) =	sbr.ind lr, $3  }
0x3a: {  	_ = 	snop  }
0x3b: {  	_ = 	snop  }
0x3c: {  	p2 =	seq.s32 s10, $0x1;
	s10 =	sld [smem:$0x3FB8]  }
0x3d: {  	_ =	shalt  }
0x3e: {  	_ =	shalt  }
0x3f: {  	_ =	shalt  }
0x40: {  	_ =	shalt  }
0x41: {  	_ =	shalt  }
0x42: {  	_ =	shalt  }
0x43: {  	_ =	shalt  }
0x44: {  	_ =	shalt  }
0x45: {  	_ =	shalt  }
0x46: {  	_ =	shalt  }
0x47: {  	_ =	shalt  }
0x48: {  	_ =	shalt  }
0x49: {  	_ =	shalt  }
0x4a: {  	_ =	shalt  }
0x4b: {  	_ =	shalt  }
0x4c: {  	_ =	shalt  }
0x4d: {  	_ =	shalt  }
0x4e: {  	_ =	shalt  }
0x4f: {  	_ =	shalt  }
0x50: {  	_ =	shalt  }
0x51: {  	_ =	shalt  }
0x52: {  	_ =	shalt  }
0x53: {  	_ =	shalt  }
0x54: {  	_ =	shalt  }
0x55: {  	_ =	shalt  }
0x56: {  	_ =	shalt  }
0x57: {  	_ =	shalt  }
0x58: {  	_ =	shalt  }
0x59: {  	_ =	shalt  }
0x5a: {  	_ =	shalt  }
0x5b: {  	_ =	shalt  }
0x5c: {  	_ =	shalt  }
0x5d: {  	_ =	shalt  }
0x5e: {  	_ =	shalt  }
0x5f: {  	_ =	shalt  }
0x60: {  	_ =	shalt  }
0x61: {  	_ =	shalt  }
0x62: {  	_ =	shalt  }
0x63: {  	_ =	shalt  }
0x64: {  	_ =	shalt  }
0x65: {  	_ =	shalt  }
0x66: {  	_ =	shalt  }
0x67: {  	_ =	shalt  }
0x68: {  	_ =	shalt  }
0x69: {  	_ =	shalt  }
0x6a: {  	_ =	shalt  }
0x6b: {  	_ =	shalt  }
0x6c: {  	_ =	shalt  }
0x6d: {  	_ =	shalt  }
0x6e: {  	_ =	shalt  }
0x6f: {  	_ =	shalt  }
0x70: {  	_ =	shalt  }
0x71: {  	_ =	shalt  }
0x72: {  	_ =	shalt  }
0x73: {  	_ =	shalt  }
0x74: {  	_ =	shalt  }
0x75: {  	_ =	shalt  }
0x76: {  	_ =	shalt  }
0x77: {  	_ =	shalt  }
0x78: {  	_ =	shalt  }
0x79: {  	_ =	shalt  }
0x7a: {  	_ =	shalt  }
0x7b: {  	_ =	shalt  }
0x7c: {  	_ =	shalt  }
0x7d: {  	_ =	shalt  }
0x7e: {  	_ =	shalt  }
0x7f: {  	_ =	shalt  }
0x80: {  	_ =	shalt  }
0x81: {  	_ =	shalt  }
0x82: {  	_ =	shalt  }
0x83: {  	_ =	shalt  }
0x84: {  	_ =	shalt  }
0x85: {  	_ =	shalt  }
0x86: {  	_ =	shalt  }
0x87: {  	_ =	shalt  }
.Lfunc_end0:
.L_simem_size_0:
called_computation_lowered:
.L_overlay_start_0:
0x88: {  	s2 =	sld [smem:$0x3FD9]  }
0x89: {  	s3 =	sld [smem:$0x3FFE];
	_ =	sdelay $0x1  }
0x8a: {  	s1 =	srdreg.scid  }
0x8b: {  	s0 =	sand.u32 $0x1, s1  }
0x8c: {  	s17 =	sshll.u32 s0, $0xA;
	s2 =	sadd.s32 s3, s2  }
0x8d: {  	s2 =	sadd.s32 s2, s17  }
0x8e: {  	[smem:$0x3FC4] =	sst s2  }
0x8f: {  	_ = 	snop  }
0x90: {  	s2 =	sld [smem:$0x3FC9]  }
0x91: {  	s18 =	sld [smem:$0x3FD0];
	(tm) =	ssettm $0x1  }
0x92: {  	s4 =	sld [smem:$0x3FFB];
	_ =	sdelay $0x3  }
0x93: {  	_ =	strace s4  }
0x94: {  	s4 =	sld [smem:$0x3FFC];
	_ =	sdelay $0x3  }
0x95: {  	_ =	strace s4  }
0x96: {  	s4 =	sld [smem:$0x3FFD];
	_ =	sdelay $0x3  }
0x97: {  	_ =	strace s4  }
0x98: {  	_ =	strace $0x8FFFFFFF  }
0x99: {  	s19 =	sld [smem:$0x3FDB];
	_ =	sdelay $0x1  }
0x9a: {  	s5 =	simm.s32 $_scs_section_size  }
0x9b: {  	s6 =	simm.s32 $_size__tile_overlayer_lowered;
	s7 =	simm.s32 $_tile_overlayer_lowered  }
0x9c: {  	s22 =	simm.s32 $0x1BFF;
	s21 =	sshll.u32 s7, $0x1;
	s4 =	sadd.s32 s5, s19  }
0x9d: {  	s8 =	simm.s32 $0x0;
	s20 =	sshll.u32 s6, $0x1;
	s6 =	sadd.s32 s21, s4  }
0x9e: {  	[timem:s8], [sflag:s22] =	dma.local [hbm:s6], s20  }
0x9f: {  	_ =	swait.ge [sflag:s22], s20  }
0xa0: {  	s5 =	ssub.s32 $0x0, s20;
	[sflag:s22] =	ssyncset.done $0x0  }
0xa1: {  	[sflag:s22] =	ssyncadd.s32 s5;
	_ =	sdelay $0x1  }
0xa2: {  	s23 =	simm.s32 $0x1B8B  }
0xa3: {  	_ =	swait.ge [sflag:s23], $0x1  }
0xa4: {  	[sflag:s23] =	ssyncset.done $0x0  }
0xa5: {  	s25 =	simm.s32 $0x1B8E;
	s24 =	sld [smem:$0x3FFE];
	[sflag:s23] =	ssyncadd.s32 $0xFFFFFFFF  }
0xa6: {  	s26 =	simm.s32 $execute0_lowered;
	[smem:$0x3FD2] =	sst s25  }
0xa7: {  	s6 =	sshll.u32 s26, $0x1;
	_ =	strace $0x80000046;
	[dreg:$0x1] =	wrdreg $0xFFFFFFFF  }
0xa8: {  	s28 =	simm.s32 $_size_execute0_lowered;
	s4 =	sadd.s32 s4, s6;
	[dreg:$0x0] =	wrdreg $0x0  }
0xa9: {  	s6 =	sshll.u32 s28, $0x1;
	[dreg:$0x2] =	wrdreg s4  }
0xaa: {  	[dreg:$0x3] =	wrdreg s6  }
0xab: {  	[dreg:$0x4] =	wrdreg $0xC0  }
0xac: {  	_ =	task [dreg:s8], $0x5FFFF  }
0xad: {  	[dreg:$0x1] =	wrdreg $0xFFFFFFFF  }
0xae: {  	[dreg:$0x0] =	wrdreg $0x60  }
0xaf: {  	[dreg:$0x2] =	wrdreg s2  }
0xb0: {  	[dreg:$0x3] =	wrdreg s24  }
0xb1: {  	[dreg:$0x4] =	wrdreg s18  }
0xb2: {  	[dreg:$0x5] =	wrdreg $0x9  }
0xb3: {  	_ =	task.clear_ibuf [dreg:s8], $0x6FFFF;
	_ =	strace $0x90000046  }
0xb4: {  	s29 =	simm.s32 $0x9;
	_ =	strace $0x80000048  }
0xb5: {  	_ =	swait.ge [sflag:s29], $0x1  }
0xb6: {  	[sflag:s29] =	ssyncadd.s32 $0xFFFFFFFF  }
0xb7: {  	_ =	strace $0x90000048  }
0xb8: {  	_ =	sfence  }
0xb9: {  	s30 =	sld [smem:$0x0];
	_ =	sdelay $0x2  }
0xba: {  	s31 =	sshll.u32 s1, $0xD;
	s1 =	sshrl.u32 s1, $0x2  }
0xbb: {  	s3 =	sand.u32 $0x4000, s31;
	s1 =	sadd.s32 s1, s30  }
0xbc: {  	s0 =	sor.u32 s3, s0;
	s1 =	sshll.u32 s1, $0x11  }
0xbd: {  	s0 =	sor.u32 s1, s0  }
0xbe: {  	s0 =	sadd.s32 $0x8F2B, s0  }
0xbf: {  	[sflag:s0] =	ssyncadd.remote.s32 $0x1  }
0xc0: {  	_ =	sfence.sel $0xFFFF  }
0xc1: {  	[dreg:$0x0] =	wrdreg $0xFFFFFFFF;
	(pc) =	sbr.abs _section_cstart, $3  }
0xc2: {  	[dreg:$0x1] =	wrdreg $0xFFFFFFFF  }
0xc3: {  	_ =	task.clear_ibuf [dreg:s8], $0x2FFFF;
	_ =	strace $0x9FFFFFFF  }
0xc4: {  	(tm) =	ssettm $0x7FFFFFFF  }
0xc5: {  	_ =	shalt  }
tec
execute0_lowered:
.L_overlay_start_1:
0x0: {  	(tag) =	ssettag $0x1  }
0x1: {  	s1 =	rddreg [dreg:$0x0]  }
0x2: {  	s0 =	srdreg.scid;
	s6 =	rddreg [dreg:$0x1]  }
0x3: {  	s2 =	stileid.u32;
	s7 =	rddreg [dreg:$0x2]  }
0x4: {  	s4 =	simm.s32 $0x0;
	s0 =	sand.u32 $0x1, s0;
	s2 =	sshll.u32 s2, $0x1  }
0x5: {  	s28 =	simm.s32 $0x2B40;
	s29 =	simm.s32 $0x3160;
	s2 =	sor.u32 s0, s2  }
0x6: {  	s30 =	simm.s32 $0x3780;
	s31 =	simm.s32 $0x3DA0;
	s3 =	smul.u32 $0x620, s2  }
0x7: {  	s10 =	simm.s32 $0x9800;
	s11 =	simm.s32 $0x1;
	s12 =	simm.s32 $0x2  }
0x8: {  	s13 =	simm.s32 $0x3;
	s14 =	simm.s32 $0x4;
	s2 =	sshrl.u32 s3, $0x3  }
0x9: {  	[smem:$0x7FF] =	sst s4;
	s5 =	sadd.s32 $0x2600, s6;
	s8 =	sadd.s32 s2, s6  }
0xa: {  	_ =	strace $0x80000047;
	s0 =	ssub.s32 $0x2, s0;
	s8 =	sadd.s32 $0xC00, s8  }
0xb: {  	s9 =	sshrl.u32 s0, $0x1;
	[dreg:$0x4] =	wrdreg s8;
	s8 =	sadd.s32 s7, s2  }
0xc: {  	s0 =	ssub.s32 s0, s9;
	s9 =	simm.s32 $0x6000;
	s2 =	sadd.s32 $0x1880, s8  }
0xd: {  	s18 =	sadd.s32 $0x38, s3;
	s20 =	sadd.s32 $0x3100, s8;
	[dreg:$0x5] =	wrdreg s2  }
0xe: {  	s19 =	smax.u32 s0, $0x1;
	s21 =	sadd.s32 $0x4980, s8;
	[dreg:$0x6] =	wrdreg s20  }
0xf: {  	s0 =	simm.s32 $0x4400;
	s22 =	sadd.s32 $0x6200, s8;
	[dreg:$0x7] =	wrdreg s21  }
0x10: {  	s6 =	sadd.s32 $0xC6600, s6;
	s23 =	sadd.s32 $0x7A80, s8;
	[dreg:$0x8] =	wrdreg s22  }
0x11: {  	s7 =	simm.s32 $0x7C00;
	s24 =	sadd.s32 $0x9300, s8;
	[dreg:$0x9] =	wrdreg s23  }
.Ltmp0:
0x12: {  	s25 =	sadd.s32 $0xAB80, s8;
	[dreg:$0xa] =	wrdreg s24;
	(pc) =	sbr.rel .LBB2_1-.Ltmp0, $4  }
0x13: {  	s26 =	sadd.s32 $0xC400, s8;
	s17 =	sadd.s32 $0xDC80, s8;
	[dreg:$0xb] =	wrdreg s25  }
0x14: {  	[dreg:$0xc] =	wrdreg s26;
	s20 =	simm.s32 $0x5;
	s22 =	simm.s32 $0x680  }
0x15: {  	s23 =	simm.s32 $0xCA0;
	s24 =	simm.s32 $0x18E0;
	s25 =	simm.s32 $0x1F00  }
0x16: {  	v0 =	vimm.f32 $0.0e+00;
	s26 =	simm.s32 $0x2520;
	s2 =	simm.s32 $0x38;
	s21 =	simm.s32 $0x0  }
.LBB2_14:
0x17: {  	_ =	swait.ge [sflag:s13], $0x1C00  }
0x18: {  	[sflag:s13] =	ssyncset.done $0x0  }
0x19: {  	[sflag:s13] =	ssyncadd.s32 $0xFFFFE400  }
0x1a: {  	_ =	swait.ge [sflag:s13], $0x1C00  }
0x1b: {  	[sflag:s13] =	ssyncset.done $0x0  }
0x1c: {  	s21 =	sadd.s32 $0x1, s21;
	[sflag:s13] =	ssyncadd.s32 $0xFFFFE400  }
0x1d: {  	p0 =	sne.s32 s21, s19;
	_ =	swait.ge [sflag:s14], $0x1C00  }
.Ltmp1:
0x1e: {  	[sflag:s14] =	ssyncset.done $0x0;
	(pc) =	sbr.rel @!p0 .LBB2_15-.Ltmp1, $4  }
0x1f: {  	[sflag:s14] =	ssyncadd.s32 $0xFFFFE400  }
0x20: {  	_ =	swait.ge [sflag:s14], $0x1C00  }
0x21: {  	[sflag:s14] =	ssyncset.done $0x0  }
0x22: {  	s22 =	simm.s32 $0x680;
	s23 =	simm.s32 $0xCA0;
	[sflag:s14] =	ssyncadd.s32 $0xFFFFE400  }
.LBB2_1:
0x23: {  	s15 =	rddreg [dreg:$0x4]  }
0x24: {  	[tilespmem:s4], [sflag:$0x5] =	stream.linear.gather [hbm4b:s15+s4], $0x620, $0x38;
	[tilespmem:$0xB400] =	vst v63  }
0x25: {  	_ =	swait.ge [sflag:s20], $0x620  }
0x26: {  	[sflag:s20] =	ssyncset.done $0x0  }
0x27: {  	[sflag:s20] =	ssyncadd.s32 $0xFFFFF9E0  }
0x28: {  	[tilespmem:s22], [sflag:$0x5] =	stream.linear.gather [hbm4b:s8+s4], $0x620, $0x38;
	[tilespmem:$0xB400] =	vst v63  }
0x29: {  	_ =	swait.ge [sflag:s20], $0x620  }
0x2a: {  	[sflag:s20] =	ssyncset.done $0x0  }
0x2b: {  	s16 =	rddreg [dreg:$0x5];
	[sflag:s20] =	ssyncadd.s32 $0xFFFFF9E0  }
0x2c: {  	[tilespmem:s23], [sflag:$0x5] =	stream.linear.gather [hbm4b:s16+s4], $0x620, $0x38;
	[tilespmem:$0xB400] =	vst v63  }
0x2d: {  	_ =	swait.ge [sflag:s20], $0x620  }
0x2e: {  	[sflag:s20] =	ssyncset.done $0x0  }
0x2f: {  	s16 =	simm.s32 $0x12C0;
	s15 =	rddreg [dreg:$0x6];
	[sflag:s20] =	ssyncadd.s32 $0xFFFFF9E0  }
0x30: {  	[tilespmem:s16], [sflag:$0x5] =	stream.linear.gather [hbm4b:s15+s4], $0x620, $0x38;
	[tilespmem:$0xB400] =	vst v63  }
0x31: {  	_ =	swait.ge [sflag:s20], $0x620  }
0x32: {  	[sflag:s20] =	ssyncset.done $0x0  }
0x33: {  	s16 =	rddreg [dreg:$0x7];
	[sflag:s20] =	ssyncadd.s32 $0xFFFFF9E0  }
0x34: {  	[tilespmem:s24], [sflag:$0x5] =	stream.linear.gather [hbm4b:s16+s4], $0x620, $0x38;
	[tilespmem:$0xB400] =	vst v63  }
0x35: {  	_ =	swait.ge [sflag:s20], $0x620  }
0x36: {  	[sflag:s20] =	ssyncset.done $0x0  }
0x37: {  	s16 =	rddreg [dreg:$0x8];
	[sflag:s20] =	ssyncadd.s32 $0xFFFFF9E0  }
0x38: {  	[tilespmem:s25], [sflag:$0x5] =	stream.linear.gather [hbm4b:s16+s4], $0x620, $0x38;
	[tilespmem:$0xB400] =	vst v63  }
0x39: {  	_ =	swait.ge [sflag:s20], $0x620  }
0x3a: {  	[sflag:s20] =	ssyncset.done $0x0  }
0x3b: {  	s16 =	rddreg [dreg:$0x9];
	[sflag:s20] =	ssyncadd.s32 $0xFFFFF9E0  }
0x3c: {  	[tilespmem:s26], [sflag:$0x5] =	stream.linear.gather [hbm4b:s16+s4], $0x620, $0x38;
	[tilespmem:$0xB400] =	vst v63  }
0x3d: {  	_ =	swait.ge [sflag:s20], $0x620  }
0x3e: {  	[sflag:s20] =	ssyncset.done $0x0  }
0x3f: {  	s16 =	rddreg [dreg:$0xa];
	[sflag:s20] =	ssyncadd.s32 $0xFFFFF9E0  }
0x40: {  	[tilespmem:s28], [sflag:$0x5] =	stream.linear.gather [hbm4b:s16+s4], $0x620, $0x38;
	[tilespmem:$0xB400] =	vst v63  }
0x41: {  	_ =	swait.ge [sflag:s20], $0x620  }
0x42: {  	[sflag:s20] =	ssyncset.done $0x0  }
0x43: {  	s16 =	rddreg [dreg:$0xb];
	[sflag:s20] =	ssyncadd.s32 $0xFFFFF9E0  }
0x44: {  	[tilespmem:s29], [sflag:$0x5] =	stream.linear.gather [hbm4b:s16+s4], $0x620, $0x38;
	[tilespmem:$0xB400] =	vst v63  }
0x45: {  	_ =	swait.ge [sflag:s20], $0x620  }
0x46: {  	[sflag:s20] =	ssyncset.done $0x0  }
0x47: {  	s16 =	rddreg [dreg:$0xc];
	[sflag:s20] =	ssyncadd.s32 $0xFFFFF9E0  }
0x48: {  	[tilespmem:s30], [sflag:$0x5] =	stream.linear.gather [hbm4b:s16+s4], $0x620, $0x38;
	[tilespmem:$0xB400] =	vst v63  }
0x49: {  	_ =	swait.ge [sflag:s20], $0x620  }
0x4a: {  	[sflag:s20] =	ssyncset.done $0x0  }
0x4b: {  	[sflag:s20] =	ssyncadd.s32 $0xFFFFF9E0  }
0x4c: {  	[tilespmem:s31], [sflag:$0x5] =	stream.linear.gather [hbm4b:s17+s4], $0x620, $0x38;
	[tilespmem:$0xB400] =	vst v63  }
0x4d: {  	_ =	swait.ge [sflag:s20], $0x620  }
0x4e: {  	[sflag:s20] =	ssyncset.done $0x0  }
0x4f: {  	s15 =	simm.s32 $0x0;
	s16 =	simm.s32 $0x200;
	[sflag:s20] =	ssyncadd.s32 $0xFFFFF9E0  }
.LBB2_2:
0x50: {  	p0 =	sne.s32 s16, $0x6E00;
	[tilespmem:s15+$0x7C70] =	vst v0  }
0x51: {  	[tilespmem:s15+$0x7C00] =	vst v0  }
0x52: {  	[tilespmem:s15+$0x7C10] =	vst v0  }
.Ltmp2:
0x53: {  	[tilespmem:s15+$0x7C20] =	vst v0;
	(pc) =	sbr.rel @p0 .LBB2_2-.Ltmp2, $4  }
0x54: {  	[tilespmem:s15+$0x7C30] =	vst v0  }
0x55: {  	[tilespmem:s15+$0x7C40] =	vst v0  }
0x56: {  	[tilespmem:s15+$0x7C50] =	vst v0  }
0x57: {  	[tilespmem:s15+$0x7C60] =	vst v0;
	s15 =	sshra.s32 s16, $0x2;
	s16 =	sadd.s32 $0x200, s16  }
0x58: {  	[tilespmem:s15+$0x7C70] =	vst v0  }
0x59: {  	[tilespmem:s15+$0x7C00] =	vst v0  }
0x5a: {  	[tilespmem:s15+$0x7C10] =	vst v0  }
0x5b: {  	[tilespmem:s15+$0x7C20] =	vst v0  }
0x5c: {  	[tilespmem:s15+$0x7C30] =	vst v0  }
0x5d: {  	[tilespmem:s15+$0x7C40] =	vst v0  }
0x5e: {  	[tilespmem:s15+$0x7C50] =	vst v0  }
0x5f: {  	[tilespmem:s15+$0x7C60] =	vst v0;
	s16 =	simm.s32 $0x0  }
0x60: {  	[tilespmem:s0], [sflag:$0x1] =	stream.indirect.gather [hbm4b:s1+s2], $0x80, s16, s2, $0xb8;
	[tilespmem:$0xB400] =	vst v63  }
0x61: {  	_ = 	snop  }
0x62: {  	[tilespmem:s7], [sflag:$0x1] =	stream.indirect.gather.add.f32 [hbm:s1], $0x80, s22, s2, $0xb8;
	[tilespmem:$0xB400] =	vst v63  }
0x63: {  	_ = 	snop  }
0x64: {  	[tilespmem:s7], [sflag:$0x1] =	stream.indirect.gather.add.f32 [hbm:s1], $0x80, s23, s2, $0xb8;
	[tilespmem:$0xB400] =	vst v63  }
0x65: {  	s23 =	simm.s32 $0x12C0  }
0x66: {  	[tilespmem:s7], [sflag:$0x1] =	stream.indirect.gather.add.f32 [hbm:s1], $0x80, s23, s2, $0xb8;
	[tilespmem:$0xB400] =	vst v63  }
0x67: {  	_ = 	snop  }
0x68: {  	[tilespmem:s7], [sflag:$0x1] =	stream.indirect.gather.add.f32 [hbm:s1], $0x80, s24, s2, $0xb8;
	[tilespmem:$0xB400] =	vst v63  }
0x69: {  	_ = 	snop  }
0x6a: {  	[tilespmem:s7], [sflag:$0x1] =	stream.indirect.gather.add.f32 [hbm:s1], $0x80, s25, s2, $0xb8;
	[tilespmem:$0xB400] =	vst v63  }
0x6b: {  	_ = 	snop  }
0x6c: {  	[tilespmem:s7], [sflag:$0x1] =	stream.indirect.gather.add.f32 [hbm:s1], $0x80, s26, s2, $0xb8;
	[tilespmem:$0xB400] =	vst v63  }
0x6d: {  	_ = 	snop  }
0x6e: {  	[tilespmem:s7], [sflag:$0x1] =	stream.indirect.gather.add.f32 [hbm:s1], $0x80, s28, s2, $0xb8;
	[tilespmem:$0xB400] =	vst v63  }
0x6f: {  	_ = 	snop  }
0x70: {  	[tilespmem:s7], [sflag:$0x1] =	stream.indirect.gather.add.f32 [hbm:s1], $0x80, s29, s2, $0xb8;
	[tilespmem:$0xB400] =	vst v63  }
0x71: {  	_ = 	snop  }
0x72: {  	[tilespmem:s7], [sflag:$0x1] =	stream.indirect.gather.add.f32 [hbm:s1], $0x80, s30, s2, $0xb8;
	[tilespmem:$0xB400] =	vst v63  }
0x73: {  	s15 =	simm.s32 $0x0;
	s16 =	simm.s32 $0x200  }
0x74: {  	[tilespmem:s7], [sflag:$0x1] =	stream.indirect.gather.add.f32 [hbm:s1], $0x80, s31, s2, $0xb8;
	[tilespmem:$0xB400] =	vst v63  }
.LBB2_4:
0x75: {  	p0 =	sne.s32 s16, $0x6E00;
	[tilespmem:s15+$0x9870] =	vst v0  }
0x76: {  	[tilespmem:s15+$0x9800] =	vst v0  }
0x77: {  	[tilespmem:s15+$0x9810] =	vst v0  }
.Ltmp3:
0x78: {  	[tilespmem:s15+$0x9820] =	vst v0;
	(pc) =	sbr.rel @p0 .LBB2_4-.Ltmp3, $4  }
0x79: {  	[tilespmem:s15+$0x9830] =	vst v0  }
0x7a: {  	[tilespmem:s15+$0x9840] =	vst v0  }
0x7b: {  	[tilespmem:s15+$0x9850] =	vst v0  }
0x7c: {  	[tilespmem:s15+$0x9860] =	vst v0;
	s15 =	sshra.s32 s16, $0x2;
	s16 =	sadd.s32 $0x200, s16  }
0x7d: {  	[tilespmem:s15+$0x9870] =	vst v0  }
0x7e: {  	[tilespmem:s15+$0x9800] =	vst v0  }
0x7f: {  	[tilespmem:s15+$0x9810] =	vst v0  }
0x80: {  	[tilespmem:s15+$0x9820] =	vst v0  }
0x81: {  	[tilespmem:s15+$0x9830] =	vst v0  }
0x82: {  	[tilespmem:s15+$0x9840] =	vst v0  }
0x83: {  	[tilespmem:s15+$0x9850] =	vst v0  }
0x84: {  	[tilespmem:s15+$0x9860] =	vst v0  }
0x85: {  	[tilespmem:s9], [sflag:$0x2] =	stream.indirect.gather [hbm4b:s1+s2], $0x80, s2, s2, $0xb8;
	[tilespmem:$0xB400] =	vst v63  }
0x86: {  	s23 =	simm.s32 $0x6B8  }
0x87: {  	[tilespmem:s10], [sflag:$0x2] =	stream.indirect.gather.add.f32 [hbm:s1], $0x80, s23, s2, $0xb8;
	[tilespmem:$0xB400] =	vst v63  }
0x88: {  	s16 =	simm.s32 $0xCD8  }
0x89: {  	[tilespmem:s10], [sflag:$0x2] =	stream.indirect.gather.add.f32 [hbm:s1], $0x80, s16, s2, $0xb8;
	[tilespmem:$0xB400] =	vst v63  }
0x8a: {  	s22 =	simm.s32 $0x12F8  }
0x8b: {  	[tilespmem:s10], [sflag:$0x2] =	stream.indirect.gather.add.f32 [hbm:s1], $0x80, s22, s2, $0xb8;
	[tilespmem:$0xB400] =	vst v63  }
0x8c: {  	s23 =	simm.s32 $0x1918  }
0x8d: {  	[tilespmem:s10], [sflag:$0x2] =	stream.indirect.gather.add.f32 [hbm:s1], $0x80, s23, s2, $0xb8;
	[tilespmem:$0xB400] =	vst v63  }
0x8e: {  	s16 =	simm.s32 $0x1F38  }
0x8f: {  	[tilespmem:s10], [sflag:$0x2] =	stream.indirect.gather.add.f32 [hbm:s1], $0x80, s16, s2, $0xb8;
	[tilespmem:$0xB400] =	vst v63  }
0x90: {  	s22 =	simm.s32 $0x2558  }
0x91: {  	[tilespmem:s10], [sflag:$0x2] =	stream.indirect.gather.add.f32 [hbm:s1], $0x80, s22, s2, $0xb8;
	[tilespmem:$0xB400] =	vst v63  }
0x92: {  	s23 =	simm.s32 $0x2B78  }
0x93: {  	[tilespmem:s10], [sflag:$0x2] =	stream.indirect.gather.add.f32 [hbm:s1], $0x80, s23, s2, $0xb8;
	[tilespmem:$0xB400] =	vst v63  }
0x94: {  	s16 =	simm.s32 $0x3198  }
0x95: {  	[tilespmem:s10], [sflag:$0x2] =	stream.indirect.gather.add.f32 [hbm:s1], $0x80, s16, s2, $0xb8;
	[tilespmem:$0xB400] =	vst v63  }
0x96: {  	s22 =	simm.s32 $0x37B8  }
0x97: {  	[tilespmem:s10], [sflag:$0x2] =	stream.indirect.gather.add.f32 [hbm:s1], $0x80, s22, s2, $0xb8;
	[tilespmem:$0xB400] =	vst v63  }
0x98: {  	s15 =	simm.s32 $0x0;
	s23 =	simm.s32 $0x3DD8  }
0x99: {  	[tilespmem:s10], [sflag:$0x2] =	stream.indirect.gather.add.f32 [hbm:s1], $0x80, s23, s2, $0xb8;
	[tilespmem:$0xB400] =	vst v63  }
.LBB2_6:
0x9a: {  	_ =	swait.ge [sflag:s11], $0x1C00  }
0x9b: {  	[sflag:s11] =	ssyncset.done $0x0  }
0x9c: {  	[sflag:s11] =	ssyncadd.s32 $0xFFFFE400  }
0x9d: {  	_ =	swait.ge [sflag:s11], $0x1C00  }
0x9e: {  	[sflag:s11] =	ssyncset.done $0x0  }
0x9f: {  	[sflag:s11] =	ssyncadd.s32 $0xFFFFE400  }
0xa0: {  	_ =	swait.ge [sflag:s11], $0x1C00  }
0xa1: {  	[sflag:s11] =	ssyncset.done $0x0  }
0xa2: {  	[sflag:s11] =	ssyncadd.s32 $0xFFFFE400  }
0xa3: {  	_ =	swait.ge [sflag:s11], $0x1C00  }
0xa4: {  	[sflag:s11] =	ssyncset.done $0x0  }
0xa5: {  	[sflag:s11] =	ssyncadd.s32 $0xFFFFE400  }
0xa6: {  	_ =	swait.ge [sflag:s11], $0x1C00  }
0xa7: {  	[sflag:s11] =	ssyncset.done $0x0  }
0xa8: {  	[sflag:s11] =	ssyncadd.s32 $0xFFFFE400  }
0xa9: {  	_ =	swait.ge [sflag:s11], $0x1C00  }
0xaa: {  	[sflag:s11] =	ssyncset.done $0x0  }
0xab: {  	[sflag:s11] =	ssyncadd.s32 $0xFFFFE400  }
0xac: {  	_ =	swait.ge [sflag:s11], $0x1C00  }
0xad: {  	[sflag:s11] =	ssyncset.done $0x0  }
0xae: {  	[sflag:s11] =	ssyncadd.s32 $0xFFFFE400  }
0xaf: {  	_ =	swait.ge [sflag:s11], $0x1C00  }
0xb0: {  	[sflag:s11] =	ssyncset.done $0x0  }
0xb1: {  	[sflag:s11] =	ssyncadd.s32 $0xFFFFE400  }
0xb2: {  	_ =	swait.ge [sflag:s11], $0x1C00  }
0xb3: {  	[sflag:s11] =	ssyncset.done $0x0  }
0xb4: {  	[sflag:s11] =	ssyncadd.s32 $0xFFFFE400  }
0xb5: {  	_ =	swait.ge [sflag:s11], $0x1C00  }
0xb6: {  	s22 =	smul.u32 $0x70, s15;
	[sflag:s11] =	ssyncset.done $0x0  }
0xb7: {  	[sflag:s11] =	ssyncadd.s32 $0xFFFFE400  }
0xb8: {  	p0 =	seq.s32 s15, $0xD;
	s16 =	sadd.s32 s3, s22;
	_ =	swait.ge [sflag:s11], $0x1C00  }
.Ltmp4:
0xb9: {  	s16 =	sshll.u32 s16, $0x4;
	[sflag:s11] =	ssyncset.done $0x0;
	(pc) =	sbr.rel @p0 .LBB2_10-.Ltmp4, $4  }
0xba: {  	s23 =	sadd.s32 s5, s16;
	[sflag:s11] =	ssyncadd.s32 $0xFFFFE400  }
0xbb: {  	[hbm4b:s23+s4] =	stream.linear.scatter [tilespmem:s0], [sflag:$0x3], $0x1C00, $0x38;
	[tilespmem:$0xB400] =	vst v63  }
0xbc: {  	s16 =	sadd.s32 s6, s16  }
0xbd: {  	[hbm4b:s16+s4] =	stream.linear.scatter [tilespmem:s7], [sflag:$0x3], $0x1C00, $0x38;
	[tilespmem:$0xB400] =	vst v63  }
0xbe: {  	_ =	swait.ge [sflag:s13], $0x1C00  }
0xbf: {  	[sflag:s13] =	ssyncset.done $0x0  }
0xc0: {  	[sflag:s13] =	ssyncadd.s32 $0xFFFFE400  }
0xc1: {  	_ =	swait.ge [sflag:s13], $0x1C00  }
0xc2: {  	[sflag:s13] =	ssyncset.done $0x0  }
0xc3: {  	s16 =	simm.s32 $0x0;
	s23 =	simm.s32 $0x200;
	[sflag:s13] =	ssyncadd.s32 $0xFFFFE400  }
.LBB2_8:
0xc4: {  	p1 =	sne.s32 s23, $0x6E00;
	[tilespmem:s16+$0x7C70] =	vst v0  }
0xc5: {  	[tilespmem:s16+$0x7C00] =	vst v0  }
0xc6: {  	[tilespmem:s16+$0x7C10] =	vst v0  }
.Ltmp5:
0xc7: {  	[tilespmem:s16+$0x7C20] =	vst v0;
	(pc) =	sbr.rel @p1 .LBB2_8-.Ltmp5, $4  }
0xc8: {  	[tilespmem:s16+$0x7C30] =	vst v0  }
0xc9: {  	[tilespmem:s16+$0x7C40] =	vst v0  }
0xca: {  	[tilespmem:s16+$0x7C50] =	vst v0  }
0xcb: {  	[tilespmem:s16+$0x7C60] =	vst v0;
	s16 =	sshra.s32 s23, $0x2;
	s23 =	sadd.s32 $0x200, s23  }
0xcc: {  	[tilespmem:s16+$0x7C70] =	vst v0  }
0xcd: {  	[tilespmem:s16+$0x7C00] =	vst v0  }
0xce: {  	[tilespmem:s16+$0x7C10] =	vst v0  }
0xcf: {  	[tilespmem:s16+$0x7C20] =	vst v0  }
0xd0: {  	[tilespmem:s16+$0x7C30] =	vst v0  }
0xd1: {  	[tilespmem:s16+$0x7C40] =	vst v0  }
0xd2: {  	[tilespmem:s16+$0x7C50] =	vst v0  }
0xd3: {  	[tilespmem:s16+$0x7C60] =	vst v0;
	s23 =	sadd.s32 $0x70, s22  }
0xd4: {  	[tilespmem:s0], [sflag:$0x1] =	stream.indirect.gather [hbm4b:s1+s2], $0x80, s23, s2, $0xb8;
	[tilespmem:$0xB400] =	vst v63  }
0xd5: {  	s23 =	sadd.s32 $0x6F0, s22  }
0xd6: {  	[tilespmem:s7], [sflag:$0x1] =	stream.indirect.gather.add.f32 [hbm:s1], $0x80, s23, s2, $0xb8;
	[tilespmem:$0xB400] =	vst v63  }
0xd7: {  	s23 =	sadd.s32 $0xD10, s22  }
0xd8: {  	[tilespmem:s7], [sflag:$0x1] =	stream.indirect.gather.add.f32 [hbm:s1], $0x80, s23, s2, $0xb8;
	[tilespmem:$0xB400] =	vst v63  }
0xd9: {  	s23 =	sadd.s32 $0x1330, s22  }
0xda: {  	[tilespmem:s7], [sflag:$0x1] =	stream.indirect.gather.add.f32 [hbm:s1], $0x80, s23, s2, $0xb8;
	[tilespmem:$0xB400] =	vst v63  }
0xdb: {  	s23 =	sadd.s32 $0x1950, s22  }
0xdc: {  	[tilespmem:s7], [sflag:$0x1] =	stream.indirect.gather.add.f32 [hbm:s1], $0x80, s23, s2, $0xb8;
	[tilespmem:$0xB400] =	vst v63  }
0xdd: {  	s23 =	sadd.s32 $0x1F70, s22  }
0xde: {  	[tilespmem:s7], [sflag:$0x1] =	stream.indirect.gather.add.f32 [hbm:s1], $0x80, s23, s2, $0xb8;
	[tilespmem:$0xB400] =	vst v63  }
0xdf: {  	s23 =	sadd.s32 $0x2590, s22  }
0xe0: {  	[tilespmem:s7], [sflag:$0x1] =	stream.indirect.gather.add.f32 [hbm:s1], $0x80, s23, s2, $0xb8;
	[tilespmem:$0xB400] =	vst v63  }
0xe1: {  	s23 =	sadd.s32 $0x2BB0, s22  }
0xe2: {  	[tilespmem:s7], [sflag:$0x1] =	stream.indirect.gather.add.f32 [hbm:s1], $0x80, s23, s2, $0xb8;
	[tilespmem:$0xB400] =	vst v63  }
0xe3: {  	s23 =	sadd.s32 $0x31D0, s22  }
0xe4: {  	[tilespmem:s7], [sflag:$0x1] =	stream.indirect.gather.add.f32 [hbm:s1], $0x80, s23, s2, $0xb8;
	[tilespmem:$0xB400] =	vst v63  }
0xe5: {  	s23 =	sadd.s32 $0x37F0, s22  }
0xe6: {  	[tilespmem:s7], [sflag:$0x1] =	stream.indirect.gather.add.f32 [hbm:s1], $0x80, s23, s2, $0xb8;
	[tilespmem:$0xB400] =	vst v63  }
0xe7: {  	s23 =	sadd.s32 $0x3E10, s22  }
0xe8: {  	[tilespmem:s7], [sflag:$0x1] =	stream.indirect.gather.add.f32 [hbm:s1], $0x80, s23, s2, $0xb8;
	[tilespmem:$0xB400] =	vst v63  }
.LBB2_10:
0xe9: {  	_ =	swait.ge [sflag:s12], $0x1C00  }
0xea: {  	[sflag:s12] =	ssyncset.done $0x0  }
0xeb: {  	[sflag:s12] =	ssyncadd.s32 $0xFFFFE400  }
0xec: {  	_ =	swait.ge [sflag:s12], $0x1C00  }
0xed: {  	[sflag:s12] =	ssyncset.done $0x0  }
0xee: {  	[sflag:s12] =	ssyncadd.s32 $0xFFFFE400  }
0xef: {  	_ =	swait.ge [sflag:s12], $0x1C00  }
0xf0: {  	[sflag:s12] =	ssyncset.done $0x0  }
0xf1: {  	[sflag:s12] =	ssyncadd.s32 $0xFFFFE400  }
0xf2: {  	_ =	swait.ge [sflag:s12], $0x1C00  }
0xf3: {  	[sflag:s12] =	ssyncset.done $0x0  }
0xf4: {  	[sflag:s12] =	ssyncadd.s32 $0xFFFFE400  }
0xf5: {  	_ =	swait.ge [sflag:s12], $0x1C00  }
0xf6: {  	[sflag:s12] =	ssyncset.done $0x0  }
0xf7: {  	[sflag:s12] =	ssyncadd.s32 $0xFFFFE400  }
0xf8: {  	_ =	swait.ge [sflag:s12], $0x1C00  }
0xf9: {  	[sflag:s12] =	ssyncset.done $0x0  }
0xfa: {  	[sflag:s12] =	ssyncadd.s32 $0xFFFFE400  }
0xfb: {  	_ =	swait.ge [sflag:s12], $0x1C00  }
0xfc: {  	[sflag:s12] =	ssyncset.done $0x0  }
0xfd: {  	[sflag:s12] =	ssyncadd.s32 $0xFFFFE400  }
0xfe: {  	_ =	swait.ge [sflag:s12], $0x1C00  }
0xff: {  	[sflag:s12] =	ssyncset.done $0x0  }
0x100: {  	[sflag:s12] =	ssyncadd.s32 $0xFFFFE400  }
0x101: {  	_ =	swait.ge [sflag:s12], $0x1C00  }
0x102: {  	[sflag:s12] =	ssyncset.done $0x0  }
0x103: {  	[sflag:s12] =	ssyncadd.s32 $0xFFFFE400  }
0x104: {  	_ =	swait.ge [sflag:s12], $0x1C00  }
0x105: {  	[sflag:s12] =	ssyncset.done $0x0  }
0x106: {  	[sflag:s12] =	ssyncadd.s32 $0xFFFFE400  }
0x107: {  	s16 =	sadd.s32 s22, s18;
	_ =	swait.ge [sflag:s12], $0x1C00  }
.Ltmp6:
0x108: {  	s16 =	sshll.u32 s16, $0x4;
	[sflag:s12] =	ssyncset.done $0x0;
	(pc) =	sbr.rel @p0 .LBB2_14-.Ltmp6, $4  }
0x109: {  	s23 =	sadd.s32 s5, s16;
	[sflag:s12] =	ssyncadd.s32 $0xFFFFE400  }
0x10a: {  	[hbm4b:s23+s4] =	stream.linear.scatter [tilespmem:s9], [sflag:$0x4], $0x1C00, $0x38;
	[tilespmem:$0xB400] =	vst v63  }
0x10b: {  	s16 =	sadd.s32 s6, s16  }
0x10c: {  	[hbm4b:s16+s4] =	stream.linear.scatter [tilespmem:s10], [sflag:$0x4], $0x1C00, $0x38;
	[tilespmem:$0xB400] =	vst v63  }
0x10d: {  	_ =	swait.ge [sflag:s14], $0x1C00  }
0x10e: {  	[sflag:s14] =	ssyncset.done $0x0  }
0x10f: {  	[sflag:s14] =	ssyncadd.s32 $0xFFFFE400  }
0x110: {  	_ =	swait.ge [sflag:s14], $0x1C00  }
0x111: {  	[sflag:s14] =	ssyncset.done $0x0  }
0x112: {  	s16 =	simm.s32 $0x0;
	s23 =	simm.s32 $0x200;
	[sflag:s14] =	ssyncadd.s32 $0xFFFFE400  }
.LBB2_12:
0x113: {  	p0 =	sne.s32 s23, $0x6E00;
	[tilespmem:s16+$0x9870] =	vst v0  }
0x114: {  	[tilespmem:s16+$0x9800] =	vst v0  }
0x115: {  	[tilespmem:s16+$0x9810] =	vst v0  }
.Ltmp7:
0x116: {  	[tilespmem:s16+$0x9820] =	vst v0;
	(pc) =	sbr.rel @p0 .LBB2_12-.Ltmp7, $4  }
0x117: {  	[tilespmem:s16+$0x9830] =	vst v0  }
0x118: {  	[tilespmem:s16+$0x9840] =	vst v0  }
0x119: {  	[tilespmem:s16+$0x9850] =	vst v0  }
0x11a: {  	[tilespmem:s16+$0x9860] =	vst v0;
	s16 =	sshra.s32 s23, $0x2;
	s23 =	sadd.s32 $0x200, s23  }
0x11b: {  	[tilespmem:s16+$0x9870] =	vst v0  }
0x11c: {  	[tilespmem:s16+$0x9800] =	vst v0  }
0x11d: {  	[tilespmem:s16+$0x9810] =	vst v0  }
0x11e: {  	[tilespmem:s16+$0x9820] =	vst v0  }
0x11f: {  	[tilespmem:s16+$0x9830] =	vst v0  }
0x120: {  	[tilespmem:s16+$0x9840] =	vst v0  }
0x121: {  	[tilespmem:s16+$0x9850] =	vst v0  }
0x122: {  	[tilespmem:s16+$0x9860] =	vst v0;
	s23 =	sadd.s32 $0xA8, s22  }
0x123: {  	[tilespmem:s9], [sflag:$0x2] =	stream.indirect.gather [hbm4b:s1+s2], $0x80, s23, s2, $0xb8;
	[tilespmem:$0xB400] =	vst v63  }
0x124: {  	s23 =	sadd.s32 $0x728, s22  }
0x125: {  	[tilespmem:s10], [sflag:$0x2] =	stream.indirect.gather.add.f32 [hbm:s1], $0x80, s23, s2, $0xb8;
	[tilespmem:$0xB400] =	vst v63  }
0x126: {  	s23 =	sadd.s32 $0xD48, s22  }
0x127: {  	[tilespmem:s10], [sflag:$0x2] =	stream.indirect.gather.add.f32 [hbm:s1], $0x80, s23, s2, $0xb8;
	[tilespmem:$0xB400] =	vst v63  }
0x128: {  	s23 =	sadd.s32 $0x1368, s22  }
0x129: {  	[tilespmem:s10], [sflag:$0x2] =	stream.indirect.gather.add.f32 [hbm:s1], $0x80, s23, s2, $0xb8;
	[tilespmem:$0xB400] =	vst v63  }
0x12a: {  	s23 =	sadd.s32 $0x1988, s22  }
0x12b: {  	[tilespmem:s10], [sflag:$0x2] =	stream.indirect.gather.add.f32 [hbm:s1], $0x80, s23, s2, $0xb8;
	[tilespmem:$0xB400] =	vst v63  }
0x12c: {  	s23 =	sadd.s32 $0x1FA8, s22  }
0x12d: {  	[tilespmem:s10], [sflag:$0x2] =	stream.indirect.gather.add.f32 [hbm:s1], $0x80, s23, s2, $0xb8;
	[tilespmem:$0xB400] =	vst v63  }
0x12e: {  	s23 =	sadd.s32 $0x25C8, s22  }
0x12f: {  	[tilespmem:s10], [sflag:$0x2] =	stream.indirect.gather.add.f32 [hbm:s1], $0x80, s23, s2, $0xb8;
	[tilespmem:$0xB400] =	vst v63  }
0x130: {  	s23 =	sadd.s32 $0x2BE8, s22  }
0x131: {  	[tilespmem:s10], [sflag:$0x2] =	stream.indirect.gather.add.f32 [hbm:s1], $0x80, s23, s2, $0xb8;
	[tilespmem:$0xB400] =	vst v63  }
0x132: {  	s23 =	sadd.s32 $0x3208, s22  }
0x133: {  	[tilespmem:s10], [sflag:$0x2] =	stream.indirect.gather.add.f32 [hbm:s1], $0x80, s23, s2, $0xb8;
	[tilespmem:$0xB400] =	vst v63  }
.Ltmp8:
0x134: {  	_ = 	snop;
	(pc) =	sbr.rel .LBB2_6-.Ltmp8, $4  }
0x135: {  	s23 =	sadd.s32 $0x3828, s22  }
0x136: {  	[tilespmem:s10], [sflag:$0x2] =	stream.indirect.gather.add.f32 [hbm:s1], $0x80, s23, s2, $0xb8;
	[tilespmem:$0xB400] =	vst v63  }
0x137: {  	s15 =	sadd.s32 $0x1, s15;
	s23 =	sadd.s32 $0x3E48, s22  }
0x138: {  	[tilespmem:s10], [sflag:$0x2] =	stream.indirect.gather.add.f32 [hbm:s1], $0x80, s23, s2, $0xb8;
	[tilespmem:$0xB400] =	vst v63  }
.LBB2_15:
0x139: {  	_ =	sfence.sel $0x180000  }
0x13a: {  	[bflag:$0x0] =	sbarrier.arrive $0xFFFF  }
0x13b: {  	_ =	strace $0x90000047  }
0x13c: {  	s0 =	stileid.u32;
	[bflag:$0x2] =	sbarrier.arrive $0xFFFF  }
0x13d: {  	p0 =	sne.s32 s0, $0x0;
	s0 =	rddreg [dreg:$0x3]  }
0x13e: {  	s0 =	sadd.s32 @!p0 $0x100000, s0  }
0x13f: {  	[sflag:s0] =	ssyncadd.tile.s32 @!p0 $0x1;
	_ =	shalt  }
.Lfunc_end2:
_tile_overlayer_lowered:
.L_overlay_start_2:
0x140: {  	(tag) =	ssettag $0x2  }
0x141: {  	s0 =	rddreg [dreg:$0x0];
	s2 =	stileid.u32  }
0x142: {  	s1 =	rddreg [dreg:$0x1];
	p0 =	sne.s32 s2, $0x0  }
0x143: {  	s3 =	rddreg [dreg:$0x2];
	[bflag:$0x3] =	sbarrier.arrive $0xFFFF;
	s2 =	simm.s32 @!p0 $0x1C05  }
0x144: {  	[timem:s3], [sflag:s2] =	dma.local @!p0 [hbm:s0], s1  }
0x145: {  	s0 =	simm.s32 @!p0 $0x5  }
0x146: {  	_ =	swait.ge @!p0 [sflag:s0], s1  }
0x147: {  	s1 =	ssub.s32 @!p0 $0x0, s1;
	[sflag:s0] =	ssyncset.done @!p0 $0x0  }
0x148: {  	[sflag:s0] =	ssyncadd.s32 @!p0 s1  }
0x149: {  	[bflag:$0x3] =	sbarrier.arrive $0xFFFF  }
0x14a: {  	_ =	shalt  }

</sc_bundles>
